<compile_context>
chip_gen: v7x
topology: tpu7x:2x2x1
jax: 0.10.2.dev20260603
libtpu: 0.0.44.dev20260713+nightly
codegen_flags: <defaults>
</compile_context>

<pallas_src>
import functools

import jax
import jax.numpy as jnp
from jax import lax
from jax.experimental import pallas as pl
from jax.experimental.pallas import tpu as pltpu
from jax.experimental.pallas import tpu_sc as plsc

NC = 2
NS = 16
NW = NC * NS

IDXW = 128


@functools.lru_cache(maxsize=None)
def _make_gather(B, V, D, chunk):
    assert B % (NW * chunk) == 0 and chunk % IDXW == 0
    rows_per_w = B // NW
    steps = rows_per_w // chunk
    assert steps % 2 == 0
    gpc = chunk // IDXW

    mesh = plsc.VectorSubcoreMesh(
        core_axis_name="c", subcore_axis_name="s",
        num_cores=NC, num_subcores=NS)

    @functools.partial(
        pl.kernel,
        mesh=mesh,
        out_type=jax.ShapeDtypeStruct((B, 2 * D), jnp.float32),
        scratch_types=[
            pltpu.VMEM((2, chunk), jnp.int32),
            pltpu.VMEM((2, chunk, D), jnp.float32),
            pltpu.SemaphoreType.DMA,
            pltpu.SemaphoreType.DMA,
            pltpu.SemaphoreType.DMA,
            pltpu.SemaphoreType.DMA,
            pltpu.SemaphoreType.DMA,
            pltpu.SemaphoreType.DMA,
        ],
        compiler_params=pltpu.CompilerParams(use_tc_tiling_on_sc=False),
    )
    def gather_kernel(table_hbm, idx_hbm, out_hbm, idx_v, rows_v,
                      isem0, isem1, gsem0, gsem1, osem0, osem1):
        isem = (isem0, isem1)
        gsem = (gsem0, gsem1)
        osem = (osem0, osem1)
        wid = lax.axis_index("s") * NC + lax.axis_index("c")
        base = wid * rows_per_w

        def idx_fetch(s, p):
            pltpu.async_copy(
                idx_hbm.at[pl.ds(base + s * chunk, chunk)], idx_v.at[p],
                isem[p])

        def idx_wait(p):
            pltpu.make_async_copy(
                idx_hbm.at[pl.ds(0, chunk)], idx_v.at[p], isem[p]).wait()

        def out_wait(p):
            pltpu.make_async_copy(
                rows_v.at[p],
                out_hbm.at[pl.ds(0, chunk), pl.ds(0, D)], osem[p]).wait()

        def do_step(s, p):
            idx_wait(p)
            @pl.when(s >= 2)
            def _():
                out_wait(p)
            copies = [
                pltpu.async_copy(
                    table_hbm.at[idx_v.at[p, pl.ds(j * IDXW, IDXW)]],
                    rows_v.at[p, pl.ds(j * IDXW, IDXW)],
                    gsem[p],
                )
                for j in range(gpc)
            ]
            for c in copies:
                c.wait()

            @pl.when(s + 2 < steps)
            def _():
                idx_fetch(s + 2, p)

            pltpu.async_copy(
                rows_v.at[p],
                out_hbm.at[pl.ds(base + s * chunk, chunk), pl.ds(0, D)],
                osem[p])

        idx_fetch(0, 0)
        idx_fetch(1, 1)

        def body(g, _):
            do_step(2 * g, 0)
            do_step(2 * g + 1, 1)
            return 0

        lax.fori_loop(0, steps // 2, body, 0)
        out_wait(0)
        out_wait(1)

    return gather_kernel


def kernel(token_ids, weight):
    B = token_ids.size
    V, D = weight.shape
    idx = token_ids.reshape(B).astype(jnp.int32)
    out = _make_gather(B, V, D, 640)(weight, idx)
    return out[:, :D].reshape(*token_ids.shape, D)

# --- scband reference (transcript-rebuilt; emitter-appended) ---
"""Pipeline reference for scband-embedding-5634997093112 (READ-ONLY COPY).

The authoritative reference and input builder live on the scoring server;
editing this copy changes nothing except your own understanding.
"""

import jax, jax.numpy as jnp
import numpy as np

VOCAB_SIZE = 1000000
D_MODEL = 64

def setup_inputs(seed: int = 0) -> dict:
    key = jax.random.key(seed)
    k_idx, k_w = jax.random.split(key)
    token_ids = jax.random.randint(k_idx, (16384, 200), 0, VOCAB_SIZE, dtype=jnp.int64 if jax.config.read('jax_enable_x64') else jnp.int32)
    weight = jax.random.normal(k_w, (VOCAB_SIZE, D_MODEL), dtype=jnp.float32)
    return {"token_ids": token_ids, "weight": weight}

def reference(token_ids, weight):
    # Faithful translation of: return self.weight[token_ids]
    return jnp.take(weight, token_ids, axis=0)

if __name__ == "__main__":
    import jax
    _d = setup_inputs()
    print(jax.jit(kernel)(*tuple(_d.values())))

</pallas_src>

<mosaic_0001>
#map = affine_map<(d0, d1) -> (0, 0)>
#map1 = affine_map<(d0, d1) -> (0)>
module attributes {stable_mosaic.version = 14 : i64} {
  func.func @gather_kernel(%arg0: i32, %arg1: i32, %arg2: memref<1000000x64xf32, #tpu.memory_space<hbm>>, %arg3: memref<3276800xi32, #tpu.memory_space<hbm>>, %arg4: memref<3276800x128xf32, #tpu.memory_space<hbm>>, %arg5: memref<2x640xi32, #tpu.memory_space<vmem>>, %arg6: memref<2x640x64xf32, #tpu.memory_space<vmem>>, %arg7: memref<!tpu.dma_semaphore, #tpu.memory_space<semaphore_mem>>, %arg8: memref<!tpu.dma_semaphore, #tpu.memory_space<semaphore_mem>>, %arg9: memref<!tpu.dma_semaphore, #tpu.memory_space<semaphore_mem>>, %arg10: memref<!tpu.dma_semaphore, #tpu.memory_space<semaphore_mem>>, %arg11: memref<!tpu.dma_semaphore, #tpu.memory_space<semaphore_mem>>, %arg12: memref<!tpu.dma_semaphore, #tpu.memory_space<semaphore_mem>>) attributes {dimension_semantics = [#tpu.dimension_semantics<core_parallel>, #tpu.dimension_semantics<subcore_parallel>], iteration_bounds = array<i64: 2, 16>, scalar_prefetch = 0 : i64, scratch_operands = 8 : i64, tpu.core_type = #tpu.core_type<sc_vector_subcore>, window_params = [{transform_indices = #map}, {transform_indices = #map1}, {transform_indices = #map}]} {
    %mul3A = arith.constant 2 : i32
    %mul3A_0 = arith.muli %arg1, %mul3A : i32
    %add3A = arith.addi %mul3A_0, %arg0 : i32
    %mul3A_1 = arith.constant 102400 : i32
    %mul3A_2 = arith.muli %add3A, %mul3A_1 : i32
    %add3A_3 = arith.constant 0 : i32
    %add3A_4 = arith.addi %mul3A_2, %add3A_3 : i32
    %dma_start3A = arith.constant 0 : i32
    %dma_start3A_5 = arith.constant 0 : i32
    %dma_start3A_6 = tpu.memref_slice %arg5[%dma_start3A, %dma_start3A_5] : memref<2x640xi32, #tpu.memory_space<vmem>> -> memref<1x640xi32, #tpu.memory_space<vmem>>
    %dma_start3A_7 = tpu.memref_squeeze %dma_start3A_6 : memref<1x640xi32, #tpu.memory_space<vmem>> -> memref<640xi32, #tpu.memory_space<vmem>>
    %dma_start3A_8 = tpu.memref_slice %arg3[%add3A_4] : memref<3276800xi32, #tpu.memory_space<hbm>> -> memref<640xi32, #tpu.memory_space<hbm>>
    %dma_start3A_9 = arith.constant 0 : i32
    %dma_start3A_10 = tpu.memref_slice %arg5[%dma_start3A, %dma_start3A_9] : memref<2x640xi32, #tpu.memory_space<vmem>> -> memref<1x640xi32, #tpu.memory_space<vmem>>
    %dma_start3A_11 = tpu.memref_squeeze %dma_start3A_10 : memref<1x640xi32, #tpu.memory_space<vmem>> -> memref<640xi32, #tpu.memory_space<vmem>>
    %dma_start3A_12 = tpu.memref_slice %arg3[%add3A_4] : memref<3276800xi32, #tpu.memory_space<hbm>> -> memref<640xi32, #tpu.memory_space<hbm>>
    tpu.enqueue_dma source(%dma_start3A_12 : memref<640xi32, #tpu.memory_space<hbm>>) target(%dma_start3A_11 : memref<640xi32, #tpu.memory_space<vmem>>) target_semaphore(%arg7 : memref<!tpu.dma_semaphore, #tpu.memory_space<semaphore_mem>>)
    %add3A_13 = arith.constant 640 : i32
    %add3A_14 = arith.addi %mul3A_2, %add3A_13 : i32
    %dma_start3A_15 = arith.constant 1 : i32
    %dma_start3A_16 = arith.constant 0 : i32
    %dma_start3A_17 = tpu.memref_slice %arg5[%dma_start3A_15, %dma_start3A_16] : memref<2x640xi32, #tpu.memory_space<vmem>> -> memref<1x640xi32, #tpu.memory_space<vmem>>
    %dma_start3A_18 = tpu.memref_squeeze %dma_start3A_17 : memref<1x640xi32, #tpu.memory_space<vmem>> -> memref<640xi32, #tpu.memory_space<vmem>>
    %dma_start3A_19 = tpu.memref_slice %arg3[%add3A_14] : memref<3276800xi32, #tpu.memory_space<hbm>> -> memref<640xi32, #tpu.memory_space<hbm>>
    %dma_start3A_20 = arith.constant 0 : i32
    %dma_start3A_21 = tpu.memref_slice %arg5[%dma_start3A_15, %dma_start3A_20] : memref<2x640xi32, #tpu.memory_space<vmem>> -> memref<1x640xi32, #tpu.memory_space<vmem>>
    %dma_start3A_22 = tpu.memref_squeeze %dma_start3A_21 : memref<1x640xi32, #tpu.memory_space<vmem>> -> memref<640xi32, #tpu.memory_space<vmem>>
    %dma_start3A_23 = tpu.memref_slice %arg3[%add3A_14] : memref<3276800xi32, #tpu.memory_space<hbm>> -> memref<640xi32, #tpu.memory_space<hbm>>
    tpu.enqueue_dma source(%dma_start3A_23 : memref<640xi32, #tpu.memory_space<hbm>>) target(%dma_start3A_22 : memref<640xi32, #tpu.memory_space<vmem>>) target_semaphore(%arg8 : memref<!tpu.dma_semaphore, #tpu.memory_space<semaphore_mem>>)
    %scan3A = arith.constant 0 : i32
    %scan3A_24 = arith.constant 0 : i32
    %scan3A_25 = arith.constant 80 : i32
    %scan3A_26 = arith.addi %scan3A_24, %scan3A_25 : i32
    %scan3A_27 = arith.constant 1 : i32
    %scan3A_28 = scf.for %scan3A_59 = %scan3A_24 to %scan3A_26 step %scan3A_27 iter_args(%scan3A_60 = %scan3A) -> (i32)  : i32 {
      %mul3A_61 = arith.constant 2 : i32
      %mul3A_62 = arith.muli %mul3A_61, %scan3A_59 : i32
      %dma_wait3A_63 = arith.constant 0 : i32
      %dma_wait3A_64 = arith.constant 0 : i32
      %dma_wait3A_65 = tpu.memref_slice %arg5[%dma_wait3A_63, %dma_wait3A_64] : memref<2x640xi32, #tpu.memory_space<vmem>> -> memref<1x640xi32, #tpu.memory_space<vmem>>
      %dma_wait3A_66 = tpu.memref_squeeze %dma_wait3A_65 : memref<1x640xi32, #tpu.memory_space<vmem>> -> memref<640xi32, #tpu.memory_space<vmem>>
      %dma_wait3A_67 = arith.constant 0 : i32
      %dma_wait3A_68 = tpu.memref_slice %arg3[%dma_wait3A_67] : memref<3276800xi32, #tpu.memory_space<hbm>> -> memref<640xi32, #tpu.memory_space<hbm>>
      %dma_wait3A_69 = arith.constant 0 : i32
      %dma_wait3A_70 = tpu.memref_slice %arg5[%dma_wait3A_63, %dma_wait3A_69] : memref<2x640xi32, #tpu.memory_space<vmem>> -> memref<1x640xi32, #tpu.memory_space<vmem>>
      %dma_wait3A_71 = tpu.memref_squeeze %dma_wait3A_70 : memref<1x640xi32, #tpu.memory_space<vmem>> -> memref<640xi32, #tpu.memory_space<vmem>>
      %dma_wait3A_72 = arith.constant 0 : i32
      %dma_wait3A_73 = tpu.memref_slice %arg3[%dma_wait3A_72] : memref<3276800xi32, #tpu.memory_space<hbm>> -> memref<640xi32, #tpu.memory_space<hbm>>
      tpu.wait_dma2 semaphore(%arg7 : memref<!tpu.dma_semaphore, #tpu.memory_space<semaphore_mem>>) src(%dma_wait3A_73 : memref<640xi32, #tpu.memory_space<hbm>>) dst(%dma_wait3A_71 : memref<640xi32, #tpu.memory_space<vmem>>)
      %ge3A = arith.constant 2 : i32
      %ge3A_74 = arith.cmpi sge, %mul3A_62, %ge3A : i32
      %convert_element_type3A = arith.extui %ge3A_74 : i1 to i32
      %cond3A = arith.constant 0 : i32
      %cond3A_75 = arith.cmpi ne, %convert_element_type3A, %cond3A : i32
      scf.if %cond3A_75 {
        %dma_wait3A_382 = arith.constant 0 : i32
        %dma_wait3A_383 = arith.constant 0 : i32
        %dma_wait3A_384 = arith.constant 0 : i32
        %dma_wait3A_385 = tpu.memref_slice %arg6[%dma_wait3A_382, %dma_wait3A_383, %dma_wait3A_384] : memref<2x640x64xf32, #tpu.memory_space<vmem>> -> memref<1x640x64xf32, #tpu.memory_space<vmem>>
        %dma_wait3A_386 = tpu.memref_squeeze %dma_wait3A_385 : memref<1x640x64xf32, #tpu.memory_space<vmem>> -> memref<640x64xf32, #tpu.memory_space<vmem>>
        %dma_wait3A_387 = arith.constant 0 : i32
        %dma_wait3A_388 = arith.constant 0 : i32
        %dma_wait3A_389 = tpu.memref_slice %arg4[%dma_wait3A_387, %dma_wait3A_388] : memref<3276800x128xf32, #tpu.memory_space<hbm>> -> memref<640x64xf32, #tpu.memory_space<hbm>>
        %dma_wait3A_390 = arith.constant 0 : i32
        %dma_wait3A_391 = arith.constant 0 : i32
        %dma_wait3A_392 = tpu.memref_slice %arg4[%dma_wait3A_390, %dma_wait3A_391] : memref<3276800x128xf32, #tpu.memory_space<hbm>> -> memref<640x64xf32, #tpu.memory_space<hbm>>
        %dma_wait3A_393 = arith.constant 0 : i32
        %dma_wait3A_394 = arith.constant 0 : i32
        %dma_wait3A_395 = tpu.memref_slice %arg6[%dma_wait3A_382, %dma_wait3A_393, %dma_wait3A_394] : memref<2x640x64xf32, #tpu.memory_space<vmem>> -> memref<1x640x64xf32, #tpu.memory_space<vmem>>
        %dma_wait3A_396 = tpu.memref_squeeze %dma_wait3A_395 : memref<1x640x64xf32, #tpu.memory_space<vmem>> -> memref<640x64xf32, #tpu.memory_space<vmem>>
        tpu.wait_dma2 semaphore(%arg11 : memref<!tpu.dma_semaphore, #tpu.memory_space<semaphore_mem>>) src(%dma_wait3A_396 : memref<640x64xf32, #tpu.memory_space<vmem>>) dst(%dma_wait3A_392 : memref<640x64xf32, #tpu.memory_space<hbm>>)
      } else {
      }
      %dma_start3A_76 = arith.constant 0 : i32
      %dma_start3A_77 = arith.constant 0 : i32
      %dma_start3A_78 = arith.constant 0 : i32
      %dma_start3A_79 = arith.constant 0 : i32
      %dma_start3A_80 = tpu.memref_slice %arg6[%dma_start3A_77, %dma_start3A_78, %dma_start3A_79] : memref<2x640x64xf32, #tpu.memory_space<vmem>> -> memref<1x128x64xf32, #tpu.memory_space<vmem>>
      %dma_start3A_81 = tpu.memref_squeeze %dma_start3A_80 : memref<1x128x64xf32, #tpu.memory_space<vmem>> -> memref<128x64xf32, #tpu.memory_space<vmem>>
      %dma_start3A_82 = arith.constant 0 : i32
      %dma_start3A_83 = tpu.memref_slice %arg5[%dma_start3A_76, %dma_start3A_82] : memref<2x640xi32, #tpu.memory_space<vmem>> -> memref<1x128xi32, #tpu.memory_space<vmem>>
      %dma_start3A_84 = tpu.memref_squeeze %dma_start3A_83 : memref<1x128xi32, #tpu.memory_space<vmem>> -> memref<128xi32, #tpu.memory_space<vmem>>
      %dma_start3A_85 = arith.constant 0 : i32
      %dma_start3A_86 = arith.constant 0 : i32
      %dma_start3A_87 = tpu.memref_slice %arg2[%dma_start3A_85, %dma_start3A_86] : memref<1000000x64xf32, #tpu.memory_space<hbm>> -> memref<1000000x64xf32, #tpu.memory_space<hbm>>
      tpu.enqueue_indirect_dma source(%dma_start3A_87 : memref<1000000x64xf32, #tpu.memory_space<hbm>>) target(%dma_start3A_81 : memref<128x64xf32, #tpu.memory_space<vmem>>) offsets(%dma_start3A_84 : memref<128xi32, #tpu.memory_space<vmem>>) semaphore(%arg9 : memref<!tpu.dma_semaphore, #tpu.memory_space<semaphore_mem>>)
      %dma_start3A_88 = arith.constant 0 : i32
      %dma_start3A_89 = arith.constant 0 : i32
      %dma_start3A_90 = arith.constant 128 : i32
      %dma_start3A_91 = arith.constant 0 : i32
      %dma_start3A_92 = tpu.memref_slice %arg6[%dma_start3A_89, %dma_start3A_90, %dma_start3A_91] : memref<2x640x64xf32, #tpu.memory_space<vmem>> -> memref<1x128x64xf32, #tpu.memory_space<vmem>>
      %dma_start3A_93 = tpu.memref_squeeze %dma_start3A_92 : memref<1x128x64xf32, #tpu.memory_space<vmem>> -> memref<128x64xf32, #tpu.memory_space<vmem>>
      %dma_start3A_94 = arith.constant 128 : i32
      %dma_start3A_95 = tpu.memref_slice %arg5[%dma_start3A_88, %dma_start3A_94] : memref<2x640xi32, #tpu.memory_space<vmem>> -> memref<1x128xi32, #tpu.memory_space<vmem>>
      %dma_start3A_96 = tpu.memref_squeeze %dma_start3A_95 : memref<1x128xi32, #tpu.memory_space<vmem>> -> memref<128xi32, #tpu.memory_space<vmem>>
      %dma_start3A_97 = arith.constant 0 : i32
      %dma_start3A_98 = arith.constant 0 : i32
      %dma_start3A_99 = tpu.memref_slice %arg2[%dma_start3A_97, %dma_start3A_98] : memref<1000000x64xf32, #tpu.memory_space<hbm>> -> memref<1000000x64xf32, #tpu.memory_space<hbm>>
      tpu.enqueue_indirect_dma source(%dma_start3A_99 : memref<1000000x64xf32, #tpu.memory_space<hbm>>) target(%dma_start3A_93 : memref<128x64xf32, #tpu.memory_space<vmem>>) offsets(%dma_start3A_96 : memref<128xi32, #tpu.memory_space<vmem>>) semaphore(%arg9 : memref<!tpu.dma_semaphore, #tpu.memory_space<semaphore_mem>>)
      %dma_start3A_100 = arith.constant 0 : i32
      %dma_start3A_101 = arith.constant 0 : i32
      %dma_start3A_102 = arith.constant 256 : i32
      %dma_start3A_103 = arith.constant 0 : i32
      %dma_start3A_104 = tpu.memref_slice %arg6[%dma_start3A_101, %dma_start3A_102, %dma_start3A_103] : memref<2x640x64xf32, #tpu.memory_space<vmem>> -> memref<1x128x64xf32, #tpu.memory_space<vmem>>
      %dma_start3A_105 = tpu.memref_squeeze %dma_start3A_104 : memref<1x128x64xf32, #tpu.memory_space<vmem>> -> memref<128x64xf32, #tpu.memory_space<vmem>>
      %dma_start3A_106 = arith.constant 256 : i32
      %dma_start3A_107 = tpu.memref_slice %arg5[%dma_start3A_100, %dma_start3A_106] : memref<2x640xi32, #tpu.memory_space<vmem>> -> memref<1x128xi32, #tpu.memory_space<vmem>>
      %dma_start3A_108 = tpu.memref_squeeze %dma_start3A_107 : memref<1x128xi32, #tpu.memory_space<vmem>> -> memref<128xi32, #tpu.memory_space<vmem>>
      %dma_start3A_109 = arith.constant 0 : i32
      %dma_start3A_110 = arith.constant 0 : i32
      %dma_start3A_111 = tpu.memref_slice %arg2[%dma_start3A_109, %dma_start3A_110] : memref<1000000x64xf32, #tpu.memory_space<hbm>> -> memref<1000000x64xf32, #tpu.memory_space<hbm>>
      tpu.enqueue_indirect_dma source(%dma_start3A_111 : memref<1000000x64xf32, #tpu.memory_space<hbm>>) target(%dma_start3A_105 : memref<128x64xf32, #tpu.memory_space<vmem>>) offsets(%dma_start3A_108 : memref<128xi32, #tpu.memory_space<vmem>>) semaphore(%arg9 : memref<!tpu.dma_semaphore, #tpu.memory_space<semaphore_mem>>)
      %dma_start3A_112 = arith.constant 0 : i32
      %dma_start3A_113 = arith.constant 0 : i32
      %dma_start3A_114 = arith.constant 384 : i32
      %dma_start3A_115 = arith.constant 0 : i32
      %dma_start3A_116 = tpu.memref_slice %arg6[%dma_start3A_113, %dma_start3A_114, %dma_start3A_115] : memref<2x640x64xf32, #tpu.memory_space<vmem>> -> memref<1x128x64xf32, #tpu.memory_space<vmem>>
      %dma_start3A_117 = tpu.memref_squeeze %dma_start3A_116 : memref<1x128x64xf32, #tpu.memory_space<vmem>> -> memref<128x64xf32, #tpu.memory_space<vmem>>
      %dma_start3A_118 = arith.constant 384 : i32
      %dma_start3A_119 = tpu.memref_slice %arg5[%dma_start3A_112, %dma_start3A_118] : memref<2x640xi32, #tpu.memory_space<vmem>> -> memref<1x128xi32, #tpu.memory_space<vmem>>
      %dma_start3A_120 = tpu.memref_squeeze %dma_start3A_119 : memref<1x128xi32, #tpu.memory_space<vmem>> -> memref<128xi32, #tpu.memory_space<vmem>>
      %dma_start3A_121 = arith.constant 0 : i32
      %dma_start3A_122 = arith.constant 0 : i32
      %dma_start3A_123 = tpu.memref_slice %arg2[%dma_start3A_121, %dma_start3A_122] : memref<1000000x64xf32, #tpu.memory_space<hbm>> -> memref<1000000x64xf32, #tpu.memory_space<hbm>>
      tpu.enqueue_indirect_dma source(%dma_start3A_123 : memref<1000000x64xf32, #tpu.memory_space<hbm>>) target(%dma_start3A_117 : memref<128x64xf32, #tpu.memory_space<vmem>>) offsets(%dma_start3A_120 : memref<128xi32, #tpu.memory_space<vmem>>) semaphore(%arg9 : memref<!tpu.dma_semaphore, #tpu.memory_space<semaphore_mem>>)
      %dma_start3A_124 = arith.constant 0 : i32
      %dma_start3A_125 = arith.constant 0 : i32
      %dma_start3A_126 = arith.constant 512 : i32
      %dma_start3A_127 = arith.constant 0 : i32
      %dma_start3A_128 = tpu.memref_slice %arg6[%dma_start3A_125, %dma_start3A_126, %dma_start3A_127] : memref<2x640x64xf32, #tpu.memory_space<vmem>> -> memref<1x128x64xf32, #tpu.memory_space<vmem>>
      %dma_start3A_129 = tpu.memref_squeeze %dma_start3A_128 : memref<1x128x64xf32, #tpu.memory_space<vmem>> -> memref<128x64xf32, #tpu.memory_space<vmem>>
      %dma_start3A_130 = arith.constant 512 : i32
      %dma_start3A_131 = tpu.memref_slice %arg5[%dma_start3A_124, %dma_start3A_130] : memref<2x640xi32, #tpu.memory_space<vmem>> -> memref<1x128xi32, #tpu.memory_space<vmem>>
      %dma_start3A_132 = tpu.memref_squeeze %dma_start3A_131 : memref<1x128xi32, #tpu.memory_space<vmem>> -> memref<128xi32, #tpu.memory_space<vmem>>
      %dma_start3A_133 = arith.constant 0 : i32
      %dma_start3A_134 = arith.constant 0 : i32
      %dma_start3A_135 = tpu.memref_slice %arg2[%dma_start3A_133, %dma_start3A_134] : memref<1000000x64xf32, #tpu.memory_space<hbm>> -> memref<1000000x64xf32, #tpu.memory_space<hbm>>
      tpu.enqueue_indirect_dma source(%dma_start3A_135 : memref<1000000x64xf32, #tpu.memory_space<hbm>>) target(%dma_start3A_129 : memref<128x64xf32, #tpu.memory_space<vmem>>) offsets(%dma_start3A_132 : memref<128xi32, #tpu.memory_space<vmem>>) semaphore(%arg9 : memref<!tpu.dma_semaphore, #tpu.memory_space<semaphore_mem>>)
      %dma_wait3A_136 = arith.constant 0 : i32
      %dma_wait3A_137 = arith.constant 0 : i32
      %dma_wait3A_138 = arith.constant 0 : i32
      %dma_wait3A_139 = arith.constant 0 : i32
      %dma_wait3A_140 = tpu.memref_slice %arg6[%dma_wait3A_137, %dma_wait3A_138, %dma_wait3A_139] : memref<2x640x64xf32, #tpu.memory_space<vmem>> -> memref<1x128x64xf32, #tpu.memory_space<vmem>>
      %dma_wait3A_141 = tpu.memref_squeeze %dma_wait3A_140 : memref<1x128x64xf32, #tpu.memory_space<vmem>> -> memref<128x64xf32, #tpu.memory_space<vmem>>
      %dma_wait3A_142 = arith.constant 0 : i32
      %dma_wait3A_143 = tpu.memref_slice %arg5[%dma_wait3A_136, %dma_wait3A_142] : memref<2x640xi32, #tpu.memory_space<vmem>> -> memref<1x128xi32, #tpu.memory_space<vmem>>
      %dma_wait3A_144 = tpu.memref_squeeze %dma_wait3A_143 : memref<1x128xi32, #tpu.memory_space<vmem>> -> memref<128xi32, #tpu.memory_space<vmem>>
      %dma_wait3A_145 = arith.constant 0 : i32
      %dma_wait3A_146 = arith.constant 0 : i32
      %dma_wait3A_147 = tpu.memref_slice %arg2[%dma_wait3A_145, %dma_wait3A_146] : memref<1000000x64xf32, #tpu.memory_space<hbm>> -> memref<1000000x64xf32, #tpu.memory_space<hbm>>
      tpu.wait_indirect_dma semaphore(%arg9 : memref<!tpu.dma_semaphore, #tpu.memory_space<semaphore_mem>>) src(%dma_wait3A_147 : memref<1000000x64xf32, #tpu.memory_space<hbm>>) dst(%dma_wait3A_141 : memref<128x64xf32, #tpu.memory_space<vmem>>)
      %dma_wait3A_148 = arith.constant 0 : i32
      %dma_wait3A_149 = arith.constant 0 : i32
      %dma_wait3A_150 = arith.constant 128 : i32
      %dma_wait3A_151 = arith.constant 0 : i32
      %dma_wait3A_152 = tpu.memref_slice %arg6[%dma_wait3A_149, %dma_wait3A_150, %dma_wait3A_151] : memref<2x640x64xf32, #tpu.memory_space<vmem>> -> memref<1x128x64xf32, #tpu.memory_space<vmem>>
      %dma_wait3A_153 = tpu.memref_squeeze %dma_wait3A_152 : memref<1x128x64xf32, #tpu.memory_space<vmem>> -> memref<128x64xf32, #tpu.memory_space<vmem>>
      %dma_wait3A_154 = arith.constant 128 : i32
      %dma_wait3A_155 = tpu.memref_slice %arg5[%dma_wait3A_148, %dma_wait3A_154] : memref<2x640xi32, #tpu.memory_space<vmem>> -> memref<1x128xi32, #tpu.memory_space<vmem>>
      %dma_wait3A_156 = tpu.memref_squeeze %dma_wait3A_155 : memref<1x128xi32, #tpu.memory_space<vmem>> -> memref<128xi32, #tpu.memory_space<vmem>>
      %dma_wait3A_157 = arith.constant 0 : i32
      %dma_wait3A_158 = arith.constant 0 : i32
      %dma_wait3A_159 = tpu.memref_slice %arg2[%dma_wait3A_157, %dma_wait3A_158] : memref<1000000x64xf32, #tpu.memory_space<hbm>> -> memref<1000000x64xf32, #tpu.memory_space<hbm>>
      tpu.wait_indirect_dma semaphore(%arg9 : memref<!tpu.dma_semaphore, #tpu.memory_space<semaphore_mem>>) src(%dma_wait3A_159 : memref<1000000x64xf32, #tpu.memory_space<hbm>>) dst(%dma_wait3A_153 : memref<128x64xf32, #tpu.memory_space<vmem>>)
      %dma_wait3A_160 = arith.constant 0 : i32
      %dma_wait3A_161 = arith.constant 0 : i32
      %dma_wait3A_162 = arith.constant 256 : i32
      %dma_wait3A_163 = arith.constant 0 : i32
      %dma_wait3A_164 = tpu.memref_slice %arg6[%dma_wait3A_161, %dma_wait3A_162, %dma_wait3A_163] : memref<2x640x64xf32, #tpu.memory_space<vmem>> -> memref<1x128x64xf32, #tpu.memory_space<vmem>>
      %dma_wait3A_165 = tpu.memref_squeeze %dma_wait3A_164 : memref<1x128x64xf32, #tpu.memory_space<vmem>> -> memref<128x64xf32, #tpu.memory_space<vmem>>
      %dma_wait3A_166 = arith.constant 256 : i32
      %dma_wait3A_167 = tpu.memref_slice %arg5[%dma_wait3A_160, %dma_wait3A_166] : memref<2x640xi32, #tpu.memory_space<vmem>> -> memref<1x128xi32, #tpu.memory_space<vmem>>
      %dma_wait3A_168 = tpu.memref_squeeze %dma_wait3A_167 : memref<1x128xi32, #tpu.memory_space<vmem>> -> memref<128xi32, #tpu.memory_space<vmem>>
      %dma_wait3A_169 = arith.constant 0 : i32
      %dma_wait3A_170 = arith.constant 0 : i32
      %dma_wait3A_171 = tpu.memref_slice %arg2[%dma_wait3A_169, %dma_wait3A_170] : memref<1000000x64xf32, #tpu.memory_space<hbm>> -> memref<1000000x64xf32, #tpu.memory_space<hbm>>
      tpu.wait_indirect_dma semaphore(%arg9 : memref<!tpu.dma_semaphore, #tpu.memory_space<semaphore_mem>>) src(%dma_wait3A_171 : memref<1000000x64xf32, #tpu.memory_space<hbm>>) dst(%dma_wait3A_165 : memref<128x64xf32, #tpu.memory_space<vmem>>)
      %dma_wait3A_172 = arith.constant 0 : i32
      %dma_wait3A_173 = arith.constant 0 : i32
      %dma_wait3A_174 = arith.constant 384 : i32
      %dma_wait3A_175 = arith.constant 0 : i32
      %dma_wait3A_176 = tpu.memref_slice %arg6[%dma_wait3A_173, %dma_wait3A_174, %dma_wait3A_175] : memref<2x640x64xf32, #tpu.memory_space<vmem>> -> memref<1x128x64xf32, #tpu.memory_space<vmem>>
      %dma_wait3A_177 = tpu.memref_squeeze %dma_wait3A_176 : memref<1x128x64xf32, #tpu.memory_space<vmem>> -> memref<128x64xf32, #tpu.memory_space<vmem>>
      %dma_wait3A_178 = arith.constant 384 : i32
      %dma_wait3A_179 = tpu.memref_slice %arg5[%dma_wait3A_172, %dma_wait3A_178] : memref<2x640xi32, #tpu.memory_space<vmem>> -> memref<1x128xi32, #tpu.memory_space<vmem>>
      %dma_wait3A_180 = tpu.memref_squeeze %dma_wait3A_179 : memref<1x128xi32, #tpu.memory_space<vmem>> -> memref<128xi32, #tpu.memory_space<vmem>>
      %dma_wait3A_181 = arith.constant 0 : i32
      %dma_wait3A_182 = arith.constant 0 : i32
      %dma_wait3A_183 = tpu.memref_slice %arg2[%dma_wait3A_181, %dma_wait3A_182] : memref<1000000x64xf32, #tpu.memory_space<hbm>> -> memref<1000000x64xf32, #tpu.memory_space<hbm>>
      tpu.wait_indirect_dma semaphore(%arg9 : memref<!tpu.dma_semaphore, #tpu.memory_space<semaphore_mem>>) src(%dma_wait3A_183 : memref<1000000x64xf32, #tpu.memory_space<hbm>>) dst(%dma_wait3A_177 : memref<128x64xf32, #tpu.memory_space<vmem>>)
      %dma_wait3A_184 = arith.constant 0 : i32
      %dma_wait3A_185 = arith.constant 0 : i32
      %dma_wait3A_186 = arith.constant 512 : i32
      %dma_wait3A_187 = arith.constant 0 : i32
      %dma_wait3A_188 = tpu.memref_slice %arg6[%dma_wait3A_185, %dma_wait3A_186, %dma_wait3A_187] : memref<2x640x64xf32, #tpu.memory_space<vmem>> -> memref<1x128x64xf32, #tpu.memory_space<vmem>>
      %dma_wait3A_189 = tpu.memref_squeeze %dma_wait3A_188 : memref<1x128x64xf32, #tpu.memory_space<vmem>> -> memref<128x64xf32, #tpu.memory_space<vmem>>
      %dma_wait3A_190 = arith.constant 512 : i32
      %dma_wait3A_191 = tpu.memref_slice %arg5[%dma_wait3A_184, %dma_wait3A_190] : memref<2x640xi32, #tpu.memory_space<vmem>> -> memref<1x128xi32, #tpu.memory_space<vmem>>
      %dma_wait3A_192 = tpu.memref_squeeze %dma_wait3A_191 : memref<1x128xi32, #tpu.memory_space<vmem>> -> memref<128xi32, #tpu.memory_space<vmem>>
      %dma_wait3A_193 = arith.constant 0 : i32
      %dma_wait3A_194 = arith.constant 0 : i32
      %dma_wait3A_195 = tpu.memref_slice %arg2[%dma_wait3A_193, %dma_wait3A_194] : memref<1000000x64xf32, #tpu.memory_space<hbm>> -> memref<1000000x64xf32, #tpu.memory_space<hbm>>
      tpu.wait_indirect_dma semaphore(%arg9 : memref<!tpu.dma_semaphore, #tpu.memory_space<semaphore_mem>>) src(%dma_wait3A_195 : memref<1000000x64xf32, #tpu.memory_space<hbm>>) dst(%dma_wait3A_189 : memref<128x64xf32, #tpu.memory_space<vmem>>)
      %add3A_196 = arith.constant 2 : i32
      %add3A_197 = arith.addi %mul3A_62, %add3A_196 : i32
      %lt3A = arith.constant 160 : i32
      %lt3A_198 = arith.cmpi slt, %add3A_197, %lt3A : i32
      %convert_element_type3A_199 = arith.extui %lt3A_198 : i1 to i32
      %cond3A_200 = arith.constant 0 : i32
      %cond3A_201 = arith.cmpi ne, %convert_element_type3A_199, %cond3A_200 : i32
      scf.if %cond3A_201 {
        %add3A_382 = arith.constant 2 : i32
        %add3A_383 = arith.addi %mul3A_62, %add3A_382 : i32
        %mul3A_384 = arith.constant 640 : i32
        %mul3A_385 = arith.muli %add3A_383, %mul3A_384 : i32
        %add3A_386 = arith.addi %mul3A_2, %mul3A_385 : i32
        %dma_start3A_387 = arith.constant 0 : i32
        %dma_start3A_388 = arith.constant 0 : i32
        %dma_start3A_389 = tpu.memref_slice %arg5[%dma_start3A_387, %dma_start3A_388] : memref<2x640xi32, #tpu.memory_space<vmem>> -> memref<1x640xi32, #tpu.memory_space<vmem>>
        %dma_start3A_390 = tpu.memref_squeeze %dma_start3A_389 : memref<1x640xi32, #tpu.memory_space<vmem>> -> memref<640xi32, #tpu.memory_space<vmem>>
        %dma_start3A_391 = tpu.memref_slice %arg3[%add3A_386] : memref<3276800xi32, #tpu.memory_space<hbm>> -> memref<640xi32, #tpu.memory_space<hbm>>
        %dma_start3A_392 = arith.constant 0 : i32
        %dma_start3A_393 = tpu.memref_slice %arg5[%dma_start3A_387, %dma_start3A_392] : memref<2x640xi32, #tpu.memory_space<vmem>> -> memref<1x640xi32, #tpu.memory_space<vmem>>
        %dma_start3A_394 = tpu.memref_squeeze %dma_start3A_393 : memref<1x640xi32, #tpu.memory_space<vmem>> -> memref<640xi32, #tpu.memory_space<vmem>>
        %dma_start3A_395 = tpu.memref_slice %arg3[%add3A_386] : memref<3276800xi32, #tpu.memory_space<hbm>> -> memref<640xi32, #tpu.memory_space<hbm>>
        tpu.enqueue_dma source(%dma_start3A_395 : memref<640xi32, #tpu.memory_space<hbm>>) target(%dma_start3A_394 : memref<640xi32, #tpu.memory_space<vmem>>) target_semaphore(%arg7 : memref<!tpu.dma_semaphore, #tpu.memory_space<semaphore_mem>>)
      } else {
      }
      %mul3A_202 = arith.constant 640 : i32
      %mul3A_203 = arith.muli %mul3A_62, %mul3A_202 : i32
      %add3A_204 = arith.addi %mul3A_2, %mul3A_203 : i32
      %dma_start3A_205 = arith.constant 0 : i32
      %dma_start3A_206 = arith.constant 0 : i32
      %dma_start3A_207 = arith.constant 0 : i32
      %dma_start3A_208 = tpu.memref_slice %arg6[%dma_start3A_205, %dma_start3A_206, %dma_start3A_207] : memref<2x640x64xf32, #tpu.memory_space<vmem>> -> memref<1x640x64xf32, #tpu.memory_space<vmem>>
      %dma_start3A_209 = tpu.memref_squeeze %dma_start3A_208 : memref<1x640x64xf32, #tpu.memory_space<vmem>> -> memref<640x64xf32, #tpu.memory_space<vmem>>
      %dma_start3A_210 = arith.constant 0 : i32
      %dma_start3A_211 = tpu.memref_slice %arg4[%add3A_204, %dma_start3A_210] : memref<3276800x128xf32, #tpu.memory_space<hbm>> -> memref<640x64xf32, #tpu.memory_space<hbm>>
      %dma_start3A_212 = arith.constant 0 : i32
      %dma_start3A_213 = tpu.memref_slice %arg4[%add3A_204, %dma_start3A_212] : memref<3276800x128xf32, #tpu.memory_space<hbm>> -> memref<640x64xf32, #tpu.memory_space<hbm>>
      %dma_start3A_214 = arith.constant 0 : i32
      %dma_start3A_215 = arith.constant 0 : i32
      %dma_start3A_216 = tpu.memref_slice %arg6[%dma_start3A_205, %dma_start3A_214, %dma_start3A_215] : memref<2x640x64xf32, #tpu.memory_space<vmem>> -> memref<1x640x64xf32, #tpu.memory_space<vmem>>
      %dma_start3A_217 = tpu.memref_squeeze %dma_start3A_216 : memref<1x640x64xf32, #tpu.memory_space<vmem>> -> memref<640x64xf32, #tpu.memory_space<vmem>>
      tpu.enqueue_dma source(%dma_start3A_217 : memref<640x64xf32, #tpu.memory_space<vmem>>) target(%dma_start3A_213 : memref<640x64xf32, #tpu.memory_space<hbm>>) target_semaphore(%arg11 : memref<!tpu.dma_semaphore, #tpu.memory_space<semaphore_mem>>)
      %mul3A_218 = arith.constant 2 : i32
      %mul3A_219 = arith.muli %mul3A_218, %scan3A_59 : i32
      %add3A_220 = arith.constant 1 : i32
      %add3A_221 = arith.addi %mul3A_219, %add3A_220 : i32
      %dma_wait3A_222 = arith.constant 1 : i32
      %dma_wait3A_223 = arith.constant 0 : i32
      %dma_wait3A_224 = tpu.memref_slice %arg5[%dma_wait3A_222, %dma_wait3A_223] : memref<2x640xi32, #tpu.memory_space<vmem>> -> memref<1x640xi32, #tpu.memory_space<vmem>>
      %dma_wait3A_225 = tpu.memref_squeeze %dma_wait3A_224 : memref<1x640xi32, #tpu.memory_space<vmem>> -> memref<640xi32, #tpu.memory_space<vmem>>
      %dma_wait3A_226 = arith.constant 0 : i32
      %dma_wait3A_227 = tpu.memref_slice %arg3[%dma_wait3A_226] : memref<3276800xi32, #tpu.memory_space<hbm>> -> memref<640xi32, #tpu.memory_space<hbm>>
      %dma_wait3A_228 = arith.constant 0 : i32
      %dma_wait3A_229 = tpu.memref_slice %arg5[%dma_wait3A_222, %dma_wait3A_228] : memref<2x640xi32, #tpu.memory_space<vmem>> -> memref<1x640xi32, #tpu.memory_space<vmem>>
      %dma_wait3A_230 = tpu.memref_squeeze %dma_wait3A_229 : memref<1x640xi32, #tpu.memory_space<vmem>> -> memref<640xi32, #tpu.memory_space<vmem>>
      %dma_wait3A_231 = arith.constant 0 : i32
      %dma_wait3A_232 = tpu.memref_slice %arg3[%dma_wait3A_231] : memref<3276800xi32, #tpu.memory_space<hbm>> -> memref<640xi32, #tpu.memory_space<hbm>>
      tpu.wait_dma2 semaphore(%arg8 : memref<!tpu.dma_semaphore, #tpu.memory_space<semaphore_mem>>) src(%dma_wait3A_232 : memref<640xi32, #tpu.memory_space<hbm>>) dst(%dma_wait3A_230 : memref<640xi32, #tpu.memory_space<vmem>>)
      %ge3A_233 = arith.constant 2 : i32
      %ge3A_234 = arith.cmpi sge, %add3A_221, %ge3A_233 : i32
      %convert_element_type3A_235 = arith.extui %ge3A_234 : i1 to i32
      %cond3A_236 = arith.constant 0 : i32
      %cond3A_237 = arith.cmpi ne, %convert_element_type3A_235, %cond3A_236 : i32
      scf.if %cond3A_237 {
        %dma_wait3A_382 = arith.constant 1 : i32
        %dma_wait3A_383 = arith.constant 0 : i32
        %dma_wait3A_384 = arith.constant 0 : i32
        %dma_wait3A_385 = tpu.memref_slice %arg6[%dma_wait3A_382, %dma_wait3A_383, %dma_wait3A_384] : memref<2x640x64xf32, #tpu.memory_space<vmem>> -> memref<1x640x64xf32, #tpu.memory_space<vmem>>
        %dma_wait3A_386 = tpu.memref_squeeze %dma_wait3A_385 : memref<1x640x64xf32, #tpu.memory_space<vmem>> -> memref<640x64xf32, #tpu.memory_space<vmem>>
        %dma_wait3A_387 = arith.constant 0 : i32
        %dma_wait3A_388 = arith.constant 0 : i32
        %dma_wait3A_389 = tpu.memref_slice %arg4[%dma_wait3A_387, %dma_wait3A_388] : memref<3276800x128xf32, #tpu.memory_space<hbm>> -> memref<640x64xf32, #tpu.memory_space<hbm>>
        %dma_wait3A_390 = arith.constant 0 : i32
        %dma_wait3A_391 = arith.constant 0 : i32
        %dma_wait3A_392 = tpu.memref_slice %arg4[%dma_wait3A_390, %dma_wait3A_391] : memref<3276800x128xf32, #tpu.memory_space<hbm>> -> memref<640x64xf32, #tpu.memory_space<hbm>>
        %dma_wait3A_393 = arith.constant 0 : i32
        %dma_wait3A_394 = arith.constant 0 : i32
        %dma_wait3A_395 = tpu.memref_slice %arg6[%dma_wait3A_382, %dma_wait3A_393, %dma_wait3A_394] : memref<2x640x64xf32, #tpu.memory_space<vmem>> -> memref<1x640x64xf32, #tpu.memory_space<vmem>>
        %dma_wait3A_396 = tpu.memref_squeeze %dma_wait3A_395 : memref<1x640x64xf32, #tpu.memory_space<vmem>> -> memref<640x64xf32, #tpu.memory_space<vmem>>
        tpu.wait_dma2 semaphore(%arg12 : memref<!tpu.dma_semaphore, #tpu.memory_space<semaphore_mem>>) src(%dma_wait3A_396 : memref<640x64xf32, #tpu.memory_space<vmem>>) dst(%dma_wait3A_392 : memref<640x64xf32, #tpu.memory_space<hbm>>)
      } else {
      }
      %dma_start3A_238 = arith.constant 1 : i32
      %dma_start3A_239 = arith.constant 1 : i32
      %dma_start3A_240 = arith.constant 0 : i32
      %dma_start3A_241 = arith.constant 0 : i32
      %dma_start3A_242 = tpu.memref_slice %arg6[%dma_start3A_239, %dma_start3A_240, %dma_start3A_241] : memref<2x640x64xf32, #tpu.memory_space<vmem>> -> memref<1x128x64xf32, #tpu.memory_space<vmem>>
      %dma_start3A_243 = tpu.memref_squeeze %dma_start3A_242 : memref<1x128x64xf32, #tpu.memory_space<vmem>> -> memref<128x64xf32, #tpu.memory_space<vmem>>
      %dma_start3A_244 = arith.constant 0 : i32
      %dma_start3A_245 = tpu.memref_slice %arg5[%dma_start3A_238, %dma_start3A_244] : memref<2x640xi32, #tpu.memory_space<vmem>> -> memref<1x128xi32, #tpu.memory_space<vmem>>
      %dma_start3A_246 = tpu.memref_squeeze %dma_start3A_245 : memref<1x128xi32, #tpu.memory_space<vmem>> -> memref<128xi32, #tpu.memory_space<vmem>>
      %dma_start3A_247 = arith.constant 0 : i32
      %dma_start3A_248 = arith.constant 0 : i32
      %dma_start3A_249 = tpu.memref_slice %arg2[%dma_start3A_247, %dma_start3A_248] : memref<1000000x64xf32, #tpu.memory_space<hbm>> -> memref<1000000x64xf32, #tpu.memory_space<hbm>>
      tpu.enqueue_indirect_dma source(%dma_start3A_249 : memref<1000000x64xf32, #tpu.memory_space<hbm>>) target(%dma_start3A_243 : memref<128x64xf32, #tpu.memory_space<vmem>>) offsets(%dma_start3A_246 : memref<128xi32, #tpu.memory_space<vmem>>) semaphore(%arg10 : memref<!tpu.dma_semaphore, #tpu.memory_space<semaphore_mem>>)
      %dma_start3A_250 = arith.constant 1 : i32
      %dma_start3A_251 = arith.constant 1 : i32
      %dma_start3A_252 = arith.constant 128 : i32
      %dma_start3A_253 = arith.constant 0 : i32
      %dma_start3A_254 = tpu.memref_slice %arg6[%dma_start3A_251, %dma_start3A_252, %dma_start3A_253] : memref<2x640x64xf32, #tpu.memory_space<vmem>> -> memref<1x128x64xf32, #tpu.memory_space<vmem>>
      %dma_start3A_255 = tpu.memref_squeeze %dma_start3A_254 : memref<1x128x64xf32, #tpu.memory_space<vmem>> -> memref<128x64xf32, #tpu.memory_space<vmem>>
      %dma_start3A_256 = arith.constant 128 : i32
      %dma_start3A_257 = tpu.memref_slice %arg5[%dma_start3A_250, %dma_start3A_256] : memref<2x640xi32, #tpu.memory_space<vmem>> -> memref<1x128xi32, #tpu.memory_space<vmem>>
      %dma_start3A_258 = tpu.memref_squeeze %dma_start3A_257 : memref<1x128xi32, #tpu.memory_space<vmem>> -> memref<128xi32, #tpu.memory_space<vmem>>
      %dma_start3A_259 = arith.constant 0 : i32
      %dma_start3A_260 = arith.constant 0 : i32
      %dma_start3A_261 = tpu.memref_slice %arg2[%dma_start3A_259, %dma_start3A_260] : memref<1000000x64xf32, #tpu.memory_space<hbm>> -> memref<1000000x64xf32, #tpu.memory_space<hbm>>
      tpu.enqueue_indirect_dma source(%dma_start3A_261 : memref<1000000x64xf32, #tpu.memory_space<hbm>>) target(%dma_start3A_255 : memref<128x64xf32, #tpu.memory_space<vmem>>) offsets(%dma_start3A_258 : memref<128xi32, #tpu.memory_space<vmem>>) semaphore(%arg10 : memref<!tpu.dma_semaphore, #tpu.memory_space<semaphore_mem>>)
      %dma_start3A_262 = arith.constant 1 : i32
      %dma_start3A_263 = arith.constant 1 : i32
      %dma_start3A_264 = arith.constant 256 : i32
      %dma_start3A_265 = arith.constant 0 : i32
      %dma_start3A_266 = tpu.memref_slice %arg6[%dma_start3A_263, %dma_start3A_264, %dma_start3A_265] : memref<2x640x64xf32, #tpu.memory_space<vmem>> -> memref<1x128x64xf32, #tpu.memory_space<vmem>>
      %dma_start3A_267 = tpu.memref_squeeze %dma_start3A_266 : memref<1x128x64xf32, #tpu.memory_space<vmem>> -> memref<128x64xf32, #tpu.memory_space<vmem>>
      %dma_start3A_268 = arith.constant 256 : i32
      %dma_start3A_269 = tpu.memref_slice %arg5[%dma_start3A_262, %dma_start3A_268] : memref<2x640xi32, #tpu.memory_space<vmem>> -> memref<1x128xi32, #tpu.memory_space<vmem>>
      %dma_start3A_270 = tpu.memref_squeeze %dma_start3A_269 : memref<1x128xi32, #tpu.memory_space<vmem>> -> memref<128xi32, #tpu.memory_space<vmem>>
      %dma_start3A_271 = arith.constant 0 : i32
      %dma_start3A_272 = arith.constant 0 : i32
      %dma_start3A_273 = tpu.memref_slice %arg2[%dma_start3A_271, %dma_start3A_272] : memref<1000000x64xf32, #tpu.memory_space<hbm>> -> memref<1000000x64xf32, #tpu.memory_space<hbm>>
      tpu.enqueue_indirect_dma source(%dma_start3A_273 : memref<1000000x64xf32, #tpu.memory_space<hbm>>) target(%dma_start3A_267 : memref<128x64xf32, #tpu.memory_space<vmem>>) offsets(%dma_start3A_270 : memref<128xi32, #tpu.memory_space<vmem>>) semaphore(%arg10 : memref<!tpu.dma_semaphore, #tpu.memory_space<semaphore_mem>>)
      %dma_start3A_274 = arith.constant 1 : i32
      %dma_start3A_275 = arith.constant 1 : i32
      %dma_start3A_276 = arith.constant 384 : i32
      %dma_start3A_277 = arith.constant 0 : i32
      %dma_start3A_278 = tpu.memref_slice %arg6[%dma_start3A_275, %dma_start3A_276, %dma_start3A_277] : memref<2x640x64xf32, #tpu.memory_space<vmem>> -> memref<1x128x64xf32, #tpu.memory_space<vmem>>
      %dma_start3A_279 = tpu.memref_squeeze %dma_start3A_278 : memref<1x128x64xf32, #tpu.memory_space<vmem>> -> memref<128x64xf32, #tpu.memory_space<vmem>>
      %dma_start3A_280 = arith.constant 384 : i32
      %dma_start3A_281 = tpu.memref_slice %arg5[%dma_start3A_274, %dma_start3A_280] : memref<2x640xi32, #tpu.memory_space<vmem>> -> memref<1x128xi32, #tpu.memory_space<vmem>>
      %dma_start3A_282 = tpu.memref_squeeze %dma_start3A_281 : memref<1x128xi32, #tpu.memory_space<vmem>> -> memref<128xi32, #tpu.memory_space<vmem>>
      %dma_start3A_283 = arith.constant 0 : i32
      %dma_start3A_284 = arith.constant 0 : i32
      %dma_start3A_285 = tpu.memref_slice %arg2[%dma_start3A_283, %dma_start3A_284] : memref<1000000x64xf32, #tpu.memory_space<hbm>> -> memref<1000000x64xf32, #tpu.memory_space<hbm>>
      tpu.enqueue_indirect_dma source(%dma_start3A_285 : memref<1000000x64xf32, #tpu.memory_space<hbm>>) target(%dma_start3A_279 : memref<128x64xf32, #tpu.memory_space<vmem>>) offsets(%dma_start3A_282 : memref<128xi32, #tpu.memory_space<vmem>>) semaphore(%arg10 : memref<!tpu.dma_semaphore, #tpu.memory_space<semaphore_mem>>)
      %dma_start3A_286 = arith.constant 1 : i32
      %dma_start3A_287 = arith.constant 1 : i32
      %dma_start3A_288 = arith.constant 512 : i32
      %dma_start3A_289 = arith.constant 0 : i32
      %dma_start3A_290 = tpu.memref_slice %arg6[%dma_start3A_287, %dma_start3A_288, %dma_start3A_289] : memref<2x640x64xf32, #tpu.memory_space<vmem>> -> memref<1x128x64xf32, #tpu.memory_space<vmem>>
      %dma_start3A_291 = tpu.memref_squeeze %dma_start3A_290 : memref<1x128x64xf32, #tpu.memory_space<vmem>> -> memref<128x64xf32, #tpu.memory_space<vmem>>
      %dma_start3A_292 = arith.constant 512 : i32
      %dma_start3A_293 = tpu.memref_slice %arg5[%dma_start3A_286, %dma_start3A_292] : memref<2x640xi32, #tpu.memory_space<vmem>> -> memref<1x128xi32, #tpu.memory_space<vmem>>
      %dma_start3A_294 = tpu.memref_squeeze %dma_start3A_293 : memref<1x128xi32, #tpu.memory_space<vmem>> -> memref<128xi32, #tpu.memory_space<vmem>>
      %dma_start3A_295 = arith.constant 0 : i32
      %dma_start3A_296 = arith.constant 0 : i32
      %dma_start3A_297 = tpu.memref_slice %arg2[%dma_start3A_295, %dma_start3A_296] : memref<1000000x64xf32, #tpu.memory_space<hbm>> -> memref<1000000x64xf32, #tpu.memory_space<hbm>>
      tpu.enqueue_indirect_dma source(%dma_start3A_297 : memref<1000000x64xf32, #tpu.memory_space<hbm>>) target(%dma_start3A_291 : memref<128x64xf32, #tpu.memory_space<vmem>>) offsets(%dma_start3A_294 : memref<128xi32, #tpu.memory_space<vmem>>) semaphore(%arg10 : memref<!tpu.dma_semaphore, #tpu.memory_space<semaphore_mem>>)
      %dma_wait3A_298 = arith.constant 1 : i32
      %dma_wait3A_299 = arith.constant 1 : i32
      %dma_wait3A_300 = arith.constant 0 : i32
      %dma_wait3A_301 = arith.constant 0 : i32
      %dma_wait3A_302 = tpu.memref_slice %arg6[%dma_wait3A_299, %dma_wait3A_300, %dma_wait3A_301] : memref<2x640x64xf32, #tpu.memory_space<vmem>> -> memref<1x128x64xf32, #tpu.memory_space<vmem>>
      %dma_wait3A_303 = tpu.memref_squeeze %dma_wait3A_302 : memref<1x128x64xf32, #tpu.memory_space<vmem>> -> memref<128x64xf32, #tpu.memory_space<vmem>>
      %dma_wait3A_304 = arith.constant 0 : i32
      %dma_wait3A_305 = tpu.memref_slice %arg5[%dma_wait3A_298, %dma_wait3A_304] : memref<2x640xi32, #tpu.memory_space<vmem>> -> memref<1x128xi32, #tpu.memory_space<vmem>>
      %dma_wait3A_306 = tpu.memref_squeeze %dma_wait3A_305 : memref<1x128xi32, #tpu.memory_space<vmem>> -> memref<128xi32, #tpu.memory_space<vmem>>
      %dma_wait3A_307 = arith.constant 0 : i32
      %dma_wait3A_308 = arith.constant 0 : i32
      %dma_wait3A_309 = tpu.memref_slice %arg2[%dma_wait3A_307, %dma_wait3A_308] : memref<1000000x64xf32, #tpu.memory_space<hbm>> -> memref<1000000x64xf32, #tpu.memory_space<hbm>>
      tpu.wait_indirect_dma semaphore(%arg10 : memref<!tpu.dma_semaphore, #tpu.memory_space<semaphore_mem>>) src(%dma_wait3A_309 : memref<1000000x64xf32, #tpu.memory_space<hbm>>) dst(%dma_wait3A_303 : memref<128x64xf32, #tpu.memory_space<vmem>>)
      %dma_wait3A_310 = arith.constant 1 : i32
      %dma_wait3A_311 = arith.constant 1 : i32
      %dma_wait3A_312 = arith.constant 128 : i32
      %dma_wait3A_313 = arith.constant 0 : i32
      %dma_wait3A_314 = tpu.memref_slice %arg6[%dma_wait3A_311, %dma_wait3A_312, %dma_wait3A_313] : memref<2x640x64xf32, #tpu.memory_space<vmem>> -> memref<1x128x64xf32, #tpu.memory_space<vmem>>
      %dma_wait3A_315 = tpu.memref_squeeze %dma_wait3A_314 : memref<1x128x64xf32, #tpu.memory_space<vmem>> -> memref<128x64xf32, #tpu.memory_space<vmem>>
      %dma_wait3A_316 = arith.constant 128 : i32
      %dma_wait3A_317 = tpu.memref_slice %arg5[%dma_wait3A_310, %dma_wait3A_316] : memref<2x640xi32, #tpu.memory_space<vmem>> -> memref<1x128xi32, #tpu.memory_space<vmem>>
      %dma_wait3A_318 = tpu.memref_squeeze %dma_wait3A_317 : memref<1x128xi32, #tpu.memory_space<vmem>> -> memref<128xi32, #tpu.memory_space<vmem>>
      %dma_wait3A_319 = arith.constant 0 : i32
      %dma_wait3A_320 = arith.constant 0 : i32
      %dma_wait3A_321 = tpu.memref_slice %arg2[%dma_wait3A_319, %dma_wait3A_320] : memref<1000000x64xf32, #tpu.memory_space<hbm>> -> memref<1000000x64xf32, #tpu.memory_space<hbm>>
      tpu.wait_indirect_dma semaphore(%arg10 : memref<!tpu.dma_semaphore, #tpu.memory_space<semaphore_mem>>) src(%dma_wait3A_321 : memref<1000000x64xf32, #tpu.memory_space<hbm>>) dst(%dma_wait3A_315 : memref<128x64xf32, #tpu.memory_space<vmem>>)
      %dma_wait3A_322 = arith.constant 1 : i32
      %dma_wait3A_323 = arith.constant 1 : i32
      %dma_wait3A_324 = arith.constant 256 : i32
      %dma_wait3A_325 = arith.constant 0 : i32
      %dma_wait3A_326 = tpu.memref_slice %arg6[%dma_wait3A_323, %dma_wait3A_324, %dma_wait3A_325] : memref<2x640x64xf32, #tpu.memory_space<vmem>> -> memref<1x128x64xf32, #tpu.memory_space<vmem>>
      %dma_wait3A_327 = tpu.memref_squeeze %dma_wait3A_326 : memref<1x128x64xf32, #tpu.memory_space<vmem>> -> memref<128x64xf32, #tpu.memory_space<vmem>>
      %dma_wait3A_328 = arith.constant 256 : i32
      %dma_wait3A_329 = tpu.memref_slice %arg5[%dma_wait3A_322, %dma_wait3A_328] : memref<2x640xi32, #tpu.memory_space<vmem>> -> memref<1x128xi32, #tpu.memory_space<vmem>>
      %dma_wait3A_330 = tpu.memref_squeeze %dma_wait3A_329 : memref<1x128xi32, #tpu.memory_space<vmem>> -> memref<128xi32, #tpu.memory_space<vmem>>
      %dma_wait3A_331 = arith.constant 0 : i32
      %dma_wait3A_332 = arith.constant 0 : i32
      %dma_wait3A_333 = tpu.memref_slice %arg2[%dma_wait3A_331, %dma_wait3A_332] : memref<1000000x64xf32, #tpu.memory_space<hbm>> -> memref<1000000x64xf32, #tpu.memory_space<hbm>>
      tpu.wait_indirect_dma semaphore(%arg10 : memref<!tpu.dma_semaphore, #tpu.memory_space<semaphore_mem>>) src(%dma_wait3A_333 : memref<1000000x64xf32, #tpu.memory_space<hbm>>) dst(%dma_wait3A_327 : memref<128x64xf32, #tpu.memory_space<vmem>>)
      %dma_wait3A_334 = arith.constant 1 : i32
      %dma_wait3A_335 = arith.constant 1 : i32
      %dma_wait3A_336 = arith.constant 384 : i32
      %dma_wait3A_337 = arith.constant 0 : i32
      %dma_wait3A_338 = tpu.memref_slice %arg6[%dma_wait3A_335, %dma_wait3A_336, %dma_wait3A_337] : memref<2x640x64xf32, #tpu.memory_space<vmem>> -> memref<1x128x64xf32, #tpu.memory_space<vmem>>
      %dma_wait3A_339 = tpu.memref_squeeze %dma_wait3A_338 : memref<1x128x64xf32, #tpu.memory_space<vmem>> -> memref<128x64xf32, #tpu.memory_space<vmem>>
      %dma_wait3A_340 = arith.constant 384 : i32
      %dma_wait3A_341 = tpu.memref_slice %arg5[%dma_wait3A_334, %dma_wait3A_340] : memref<2x640xi32, #tpu.memory_space<vmem>> -> memref<1x128xi32, #tpu.memory_space<vmem>>
      %dma_wait3A_342 = tpu.memref_squeeze %dma_wait3A_341 : memref<1x128xi32, #tpu.memory_space<vmem>> -> memref<128xi32, #tpu.memory_space<vmem>>
      %dma_wait3A_343 = arith.constant 0 : i32
      %dma_wait3A_344 = arith.constant 0 : i32
      %dma_wait3A_345 = tpu.memref_slice %arg2[%dma_wait3A_343, %dma_wait3A_344] : memref<1000000x64xf32, #tpu.memory_space<hbm>> -> memref<1000000x64xf32, #tpu.memory_space<hbm>>
      tpu.wait_indirect_dma semaphore(%arg10 : memref<!tpu.dma_semaphore, #tpu.memory_space<semaphore_mem>>) src(%dma_wait3A_345 : memref<1000000x64xf32, #tpu.memory_space<hbm>>) dst(%dma_wait3A_339 : memref<128x64xf32, #tpu.memory_space<vmem>>)
      %dma_wait3A_346 = arith.constant 1 : i32
      %dma_wait3A_347 = arith.constant 1 : i32
      %dma_wait3A_348 = arith.constant 512 : i32
      %dma_wait3A_349 = arith.constant 0 : i32
      %dma_wait3A_350 = tpu.memref_slice %arg6[%dma_wait3A_347, %dma_wait3A_348, %dma_wait3A_349] : memref<2x640x64xf32, #tpu.memory_space<vmem>> -> memref<1x128x64xf32, #tpu.memory_space<vmem>>
      %dma_wait3A_351 = tpu.memref_squeeze %dma_wait3A_350 : memref<1x128x64xf32, #tpu.memory_space<vmem>> -> memref<128x64xf32, #tpu.memory_space<vmem>>
      %dma_wait3A_352 = arith.constant 512 : i32
      %dma_wait3A_353 = tpu.memref_slice %arg5[%dma_wait3A_346, %dma_wait3A_352] : memref<2x640xi32, #tpu.memory_space<vmem>> -> memref<1x128xi32, #tpu.memory_space<vmem>>
      %dma_wait3A_354 = tpu.memref_squeeze %dma_wait3A_353 : memref<1x128xi32, #tpu.memory_space<vmem>> -> memref<128xi32, #tpu.memory_space<vmem>>
      %dma_wait3A_355 = arith.constant 0 : i32
      %dma_wait3A_356 = arith.constant 0 : i32
      %dma_wait3A_357 = tpu.memref_slice %arg2[%dma_wait3A_355, %dma_wait3A_356] : memref<1000000x64xf32, #tpu.memory_space<hbm>> -> memref<1000000x64xf32, #tpu.memory_space<hbm>>
      tpu.wait_indirect_dma semaphore(%arg10 : memref<!tpu.dma_semaphore, #tpu.memory_space<semaphore_mem>>) src(%dma_wait3A_357 : memref<1000000x64xf32, #tpu.memory_space<hbm>>) dst(%dma_wait3A_351 : memref<128x64xf32, #tpu.memory_space<vmem>>)
      %add3A_358 = arith.constant 2 : i32
      %add3A_359 = arith.addi %add3A_221, %add3A_358 : i32
      %lt3A_360 = arith.constant 160 : i32
      %lt3A_361 = arith.cmpi slt, %add3A_359, %lt3A_360 : i32
      %convert_element_type3A_362 = arith.extui %lt3A_361 : i1 to i32
      %cond3A_363 = arith.constant 0 : i32
      %cond3A_364 = arith.cmpi ne, %convert_element_type3A_362, %cond3A_363 : i32
      scf.if %cond3A_364 {
        %add3A_382 = arith.constant 2 : i32
        %add3A_383 = arith.addi %add3A_221, %add3A_382 : i32
        %mul3A_384 = arith.constant 640 : i32
        %mul3A_385 = arith.muli %add3A_383, %mul3A_384 : i32
        %add3A_386 = arith.addi %mul3A_2, %mul3A_385 : i32
        %dma_start3A_387 = arith.constant 1 : i32
        %dma_start3A_388 = arith.constant 0 : i32
        %dma_start3A_389 = tpu.memref_slice %arg5[%dma_start3A_387, %dma_start3A_388] : memref<2x640xi32, #tpu.memory_space<vmem>> -> memref<1x640xi32, #tpu.memory_space<vmem>>
        %dma_start3A_390 = tpu.memref_squeeze %dma_start3A_389 : memref<1x640xi32, #tpu.memory_space<vmem>> -> memref<640xi32, #tpu.memory_space<vmem>>
        %dma_start3A_391 = tpu.memref_slice %arg3[%add3A_386] : memref<3276800xi32, #tpu.memory_space<hbm>> -> memref<640xi32, #tpu.memory_space<hbm>>
        %dma_start3A_392 = arith.constant 0 : i32
        %dma_start3A_393 = tpu.memref_slice %arg5[%dma_start3A_387, %dma_start3A_392] : memref<2x640xi32, #tpu.memory_space<vmem>> -> memref<1x640xi32, #tpu.memory_space<vmem>>
        %dma_start3A_394 = tpu.memref_squeeze %dma_start3A_393 : memref<1x640xi32, #tpu.memory_space<vmem>> -> memref<640xi32, #tpu.memory_space<vmem>>
        %dma_start3A_395 = tpu.memref_slice %arg3[%add3A_386] : memref<3276800xi32, #tpu.memory_space<hbm>> -> memref<640xi32, #tpu.memory_space<hbm>>
        tpu.enqueue_dma source(%dma_start3A_395 : memref<640xi32, #tpu.memory_space<hbm>>) target(%dma_start3A_394 : memref<640xi32, #tpu.memory_space<vmem>>) target_semaphore(%arg8 : memref<!tpu.dma_semaphore, #tpu.memory_space<semaphore_mem>>)
      } else {
      }
      %mul3A_365 = arith.constant 640 : i32
      %mul3A_366 = arith.muli %add3A_221, %mul3A_365 : i32
      %add3A_367 = arith.addi %mul3A_2, %mul3A_366 : i32
      %dma_start3A_368 = arith.constant 1 : i32
      %dma_start3A_369 = arith.constant 0 : i32
      %dma_start3A_370 = arith.constant 0 : i32
      %dma_start3A_371 = tpu.memref_slice %arg6[%dma_start3A_368, %dma_start3A_369, %dma_start3A_370] : memref<2x640x64xf32, #tpu.memory_space<vmem>> -> memref<1x640x64xf32, #tpu.memory_space<vmem>>
      %dma_start3A_372 = tpu.memref_squeeze %dma_start3A_371 : memref<1x640x64xf32, #tpu.memory_space<vmem>> -> memref<640x64xf32, #tpu.memory_space<vmem>>
      %dma_start3A_373 = arith.constant 0 : i32
      %dma_start3A_374 = tpu.memref_slice %arg4[%add3A_367, %dma_start3A_373] : memref<3276800x128xf32, #tpu.memory_space<hbm>> -> memref<640x64xf32, #tpu.memory_space<hbm>>
      %dma_start3A_375 = arith.constant 0 : i32
      %dma_start3A_376 = tpu.memref_slice %arg4[%add3A_367, %dma_start3A_375] : memref<3276800x128xf32, #tpu.memory_space<hbm>> -> memref<640x64xf32, #tpu.memory_space<hbm>>
      %dma_start3A_377 = arith.constant 0 : i32
      %dma_start3A_378 = arith.constant 0 : i32
      %dma_start3A_379 = tpu.memref_slice %arg6[%dma_start3A_368, %dma_start3A_377, %dma_start3A_378] : memref<2x640x64xf32, #tpu.memory_space<vmem>> -> memref<1x640x64xf32, #tpu.memory_space<vmem>>
      %dma_start3A_380 = tpu.memref_squeeze %dma_start3A_379 : memref<1x640x64xf32, #tpu.memory_space<vmem>> -> memref<640x64xf32, #tpu.memory_space<vmem>>
      tpu.enqueue_dma source(%dma_start3A_380 : memref<640x64xf32, #tpu.memory_space<vmem>>) target(%dma_start3A_376 : memref<640x64xf32, #tpu.memory_space<hbm>>) target_semaphore(%arg12 : memref<!tpu.dma_semaphore, #tpu.memory_space<semaphore_mem>>)
      %scan3A_381 = arith.constant 0 : i32
      scf.yield %scan3A_381 : i32
    }
    %scan3A_29 = arith.constant 80 : i32
    %dma_wait3A = arith.constant 0 : i32
    %dma_wait3A_30 = arith.constant 0 : i32
    %dma_wait3A_31 = arith.constant 0 : i32
    %dma_wait3A_32 = tpu.memref_slice %arg6[%dma_wait3A, %dma_wait3A_30, %dma_wait3A_31] : memref<2x640x64xf32, #tpu.memory_space<vmem>> -> memref<1x640x64xf32, #tpu.memory_space<vmem>>
    %dma_wait3A_33 = tpu.memref_squeeze %dma_wait3A_32 : memref<1x640x64xf32, #tpu.memory_space<vmem>> -> memref<640x64xf32, #tpu.memory_space<vmem>>
    %dma_wait3A_34 = arith.constant 0 : i32
    %dma_wait3A_35 = arith.constant 0 : i32
    %dma_wait3A_36 = tpu.memref_slice %arg4[%dma_wait3A_34, %dma_wait3A_35] : memref<3276800x128xf32, #tpu.memory_space<hbm>> -> memref<640x64xf32, #tpu.memory_space<hbm>>
    %dma_wait3A_37 = arith.constant 0 : i32
    %dma_wait3A_38 = arith.constant 0 : i32
    %dma_wait3A_39 = tpu.memref_slice %arg4[%dma_wait3A_37, %dma_wait3A_38] : memref<3276800x128xf32, #tpu.memory_space<hbm>> -> memref<640x64xf32, #tpu.memory_space<hbm>>
    %dma_wait3A_40 = arith.constant 0 : i32
    %dma_wait3A_41 = arith.constant 0 : i32
    %dma_wait3A_42 = tpu.memref_slice %arg6[%dma_wait3A, %dma_wait3A_40, %dma_wait3A_41] : memref<2x640x64xf32, #tpu.memory_space<vmem>> -> memref<1x640x64xf32, #tpu.memory_space<vmem>>
    %dma_wait3A_43 = tpu.memref_squeeze %dma_wait3A_42 : memref<1x640x64xf32, #tpu.memory_space<vmem>> -> memref<640x64xf32, #tpu.memory_space<vmem>>
    tpu.wait_dma2 semaphore(%arg11 : memref<!tpu.dma_semaphore, #tpu.memory_space<semaphore_mem>>) src(%dma_wait3A_43 : memref<640x64xf32, #tpu.memory_space<vmem>>) dst(%dma_wait3A_39 : memref<640x64xf32, #tpu.memory_space<hbm>>)
    %dma_wait3A_44 = arith.constant 1 : i32
    %dma_wait3A_45 = arith.constant 0 : i32
    %dma_wait3A_46 = arith.constant 0 : i32
    %dma_wait3A_47 = tpu.memref_slice %arg6[%dma_wait3A_44, %dma_wait3A_45, %dma_wait3A_46] : memref<2x640x64xf32, #tpu.memory_space<vmem>> -> memref<1x640x64xf32, #tpu.memory_space<vmem>>
    %dma_wait3A_48 = tpu.memref_squeeze %dma_wait3A_47 : memref<1x640x64xf32, #tpu.memory_space<vmem>> -> memref<640x64xf32, #tpu.memory_space<vmem>>
    %dma_wait3A_49 = arith.constant 0 : i32
    %dma_wait3A_50 = arith.constant 0 : i32
    %dma_wait3A_51 = tpu.memref_slice %arg4[%dma_wait3A_49, %dma_wait3A_50] : memref<3276800x128xf32, #tpu.memory_space<hbm>> -> memref<640x64xf32, #tpu.memory_space<hbm>>
    %dma_wait3A_52 = arith.constant 0 : i32
    %dma_wait3A_53 = arith.constant 0 : i32
    %dma_wait3A_54 = tpu.memref_slice %arg4[%dma_wait3A_52, %dma_wait3A_53] : memref<3276800x128xf32, #tpu.memory_space<hbm>> -> memref<640x64xf32, #tpu.memory_space<hbm>>
    %dma_wait3A_55 = arith.constant 0 : i32
    %dma_wait3A_56 = arith.constant 0 : i32
    %dma_wait3A_57 = tpu.memref_slice %arg6[%dma_wait3A_44, %dma_wait3A_55, %dma_wait3A_56] : memref<2x640x64xf32, #tpu.memory_space<vmem>> -> memref<1x640x64xf32, #tpu.memory_space<vmem>>
    %dma_wait3A_58 = tpu.memref_squeeze %dma_wait3A_57 : memref<1x640x64xf32, #tpu.memory_space<vmem>> -> memref<640x64xf32, #tpu.memory_space<vmem>>
    tpu.wait_dma2 semaphore(%arg12 : memref<!tpu.dma_semaphore, #tpu.memory_space<semaphore_mem>>) src(%dma_wait3A_58 : memref<640x64xf32, #tpu.memory_space<vmem>>) dst(%dma_wait3A_54 : memref<640x64xf32, #tpu.memory_space<hbm>>)
    return
  }
}

</mosaic_0001>

<sc_bundles>
// kernel: kernel.3.cloned.1.call-start
scs
__scs_entry_jumppad:
0x0: {  	(pc) =	sbr.rel $0x88, $3  }
0x1: {  	(tag) =	ssettag $0x0;
	lr =	simm.s32 $0x1  }
0x2: {  	[smem:$0x3F9F] =	sst lr;
	_ =	strace $0xD0000000  }
0x3: {  	_ = 	snop  }
0x4: {  	_ = 	snop  }
0x5: {  	_ = 	snop  }
0x6: {  	_ = 	snop  }
0x7: {  	_ = 	snop  }
__scs_overlays_trampoline_lowered:
0x8: {  	[smem:$0x3FAE] =	sst s0  }
0x9: {  	[smem:$0x3FAF] =	sst s1  }
0xa: {  	[smem:$0x3FB0] =	sst s2  }
0xb: {  	[smem:$0x3FB1] =	sst s3  }
0xc: {  	[smem:$0x3FB2] =	sst s4  }
0xd: {  	[smem:$0x3FB3] =	sst s5  }
0xe: {  	[smem:$0x3FB4] =	sst s6  }
0xf: {  	[smem:$0x3FB5] =	sst s7  }
0x10: {  	[smem:$0x3FB6] =	sst s8  }
0x11: {  	[smem:$0x3FB7] =	sst s9;
	s0 =	simm.s32 @!p0 $0x0  }
0x12: {  	s1 =	sld [smem:$0x3F9D];
	s0 =	simm.s32 @p0 $0x1  }
0x13: {  	[smem:$0x3FB8] =	sst s0;
	s0 =	simm.s32 @!p1 $0x0  }
0x14: {  	s2 =	sld [smem:$0x3F9C];
	s0 =	simm.s32 @p1 $0x1  }
0x15: {  	[smem:$0x3FB9] =	sst s0;
	s0 =	simm.s32 @!p2 $0x0  }
0x16: {  	s3 =	sld [smem:$0x3FDB];
	s0 =	simm.s32 @p2 $0x1  }
0x17: {  	s4 =	simm.s32 $0x1BF5;
	[smem:$0x3FBB] =	sst s0  }
0x18: {  	s0 =	sld [smem:$0x3F9E];
	_ =	swait.ge [sflag:s4], $0x0  }
0x19: {  	s7 =	sld [smem:$0x3F9F]  }
0x1a: {  	s8 =	sadd.s32 $0xFFFFE003, lr  }
0x1b: {  	s9 =	sadd.s32 $0xFFFFFEF7, lr;
	s5 =	simm.s32 $0xFFFFFFFF;
	p2 =	slt.u32 s8, $0xFFFFF086  }
0x1c: {  	p1 =	slt.u32 s9, $0xF7A;
	s5 =	simm.s32 @!p2 $0x0  }
0x1d: {  	s5 =	simm.s32 @p1 $0x1;
	p0 =	seq.s32 s7, s2  }
0x1e: {  	s7 =	smul.u32 @!p0 $0xF7A, s2;
	p2 =	seq.s32 @!p0 s5, $0x0  }
0x1f: {  	s9 =	smul.u32 $0xF7A, s1;
	s8 =	simm.s32 @!p0 $0x1BF5;
	p2 =	por !p2, p0  }
0x20: {  	[sflag:s8] =	ssyncset.s32 @!p0 $0xFFFFF086;
	s6 =	sadd.s32 @!p0 s3, s7;
	s7 =	simm.s32 @!p0 $0x108  }
0x21: {  	s3 =	sadd.s32 s3, s9;
	s6 =	sadd.s32 @!p0 $0x88, s6;
	s7 =	simm.s32 @p2 $0x1082  }
0x22: {  	[simem:s7], [sflag:s8] =	dma.local @!p0 [hbm:s6], $0xF7A  }
0x23: {  	s9 =	sor.u32 $0xD0000000, s2;
	s6 =	simm.s32 $0x108;
	_ =	swait.ge @!p0 [sflag:s8], $0x0  }
0x24: {  	s3 =	sadd.s32 $0x88, s3;
	s6 =	simm.s32 @!p1 $0x1082;
	[sflag:s4] =	ssyncset.s32 $0xFFFFF086  }
0x25: {  	[simem:s6], [sflag:s4] =	dma.local [hbm:s3], $0xF7A  }
0x26: {  	[smem:$0x3F9F] =	sst s1;
	(tag) =	ssettag s2;
	_ =	strace s9  }
0x27: {  	s1 =	sld [smem:$0x3FAF]  }
0x28: {  	s2 =	sld [smem:$0x3FB0]  }
0x29: {  	s4 =	sld [smem:$0x3FB2]  }
0x2a: {  	p0 =	seq.s32 s5, $0x0;
	s5 =	sld [smem:$0x3FB3]  }
0x2b: {  	s6 =	sld [smem:$0x3FB4]  }
0x2c: {  	s7 =	sld [smem:$0x3FB5]  }
0x2d: {  	s3 =	simm.s32 $0x108;
	s8 =	sld [smem:$0x3FB6]  }
0x2e: {  	s3 =	simm.s32 @!p0 $0x1082;
	s9 =	sld [smem:$0x3FB7]  }
0x2f: {  	lr =	sadd.s32 s0, s3;
	s0 =	sld [smem:$0x3FAE]  }
0x30: {  	s3 =	sld [smem:$0x3FB1]  }
0x31: {  	[smem:$0x3FBA] =	sst s10  }
0x32: {  	s10 =	sld [smem:$0x3FB8];
	_ =	sdelay $0x3  }
0x33: {  	p0 =	seq.s32 s10, $0x1;
	s10 =	sld [smem:$0x3FBA];
	_ =	sdelay $0x3  }
0x34: {  	[smem:$0x3FBA] =	sst s10  }
0x35: {  	s10 =	sld [smem:$0x3FB9];
	_ =	sdelay $0x3  }
0x36: {  	p1 =	seq.s32 s10, $0x1;
	s10 =	sld [smem:$0x3FBA];
	_ =	sdelay $0x3  }
0x37: {  	[smem:$0x3FBA] =	sst s10  }
0x38: {  	s10 =	sld [smem:$0x3FBB]  }
0x39: {  	_ = 	snop;
	(pc) =	sbr.ind lr, $3  }
0x3a: {  	_ = 	snop  }
0x3b: {  	_ = 	snop  }
0x3c: {  	p2 =	seq.s32 s10, $0x1;
	s10 =	sld [smem:$0x3FBA]  }
0x3d: {  	_ =	shalt  }
0x3e: {  	_ =	shalt  }
0x3f: {  	_ =	shalt  }
0x40: {  	_ =	shalt  }
0x41: {  	_ =	shalt  }
0x42: {  	_ =	shalt  }
0x43: {  	_ =	shalt  }
0x44: {  	_ =	shalt  }
0x45: {  	_ =	shalt  }
0x46: {  	_ =	shalt  }
0x47: {  	_ =	shalt  }
0x48: {  	_ =	shalt  }
0x49: {  	_ =	shalt  }
0x4a: {  	_ =	shalt  }
0x4b: {  	_ =	shalt  }
0x4c: {  	_ =	shalt  }
0x4d: {  	_ =	shalt  }
0x4e: {  	_ =	shalt  }
0x4f: {  	_ =	shalt  }
0x50: {  	_ =	shalt  }
0x51: {  	_ =	shalt  }
0x52: {  	_ =	shalt  }
0x53: {  	_ =	shalt  }
0x54: {  	_ =	shalt  }
0x55: {  	_ =	shalt  }
0x56: {  	_ =	shalt  }
0x57: {  	_ =	shalt  }
0x58: {  	_ =	shalt  }
0x59: {  	_ =	shalt  }
0x5a: {  	_ =	shalt  }
0x5b: {  	_ =	shalt  }
0x5c: {  	_ =	shalt  }
0x5d: {  	_ =	shalt  }
0x5e: {  	_ =	shalt  }
0x5f: {  	_ =	shalt  }
0x60: {  	_ =	shalt  }
0x61: {  	_ =	shalt  }
0x62: {  	_ =	shalt  }
0x63: {  	_ =	shalt  }
0x64: {  	_ =	shalt  }
0x65: {  	_ =	shalt  }
0x66: {  	_ =	shalt  }
0x67: {  	_ =	shalt  }
0x68: {  	_ =	shalt  }
0x69: {  	_ =	shalt  }
0x6a: {  	_ =	shalt  }
0x6b: {  	_ =	shalt  }
0x6c: {  	_ =	shalt  }
0x6d: {  	_ =	shalt  }
0x6e: {  	_ =	shalt  }
0x6f: {  	_ =	shalt  }
0x70: {  	_ =	shalt  }
0x71: {  	_ =	shalt  }
0x72: {  	_ =	shalt  }
0x73: {  	_ =	shalt  }
0x74: {  	_ =	shalt  }
0x75: {  	_ =	shalt  }
0x76: {  	_ =	shalt  }
0x77: {  	_ =	shalt  }
0x78: {  	_ =	shalt  }
0x79: {  	_ =	shalt  }
0x7a: {  	_ =	shalt  }
0x7b: {  	_ =	shalt  }
0x7c: {  	_ =	shalt  }
0x7d: {  	_ =	shalt  }
0x7e: {  	_ =	shalt  }
0x7f: {  	_ =	shalt  }
0x80: {  	_ =	shalt  }
0x81: {  	_ =	shalt  }
0x82: {  	_ =	shalt  }
0x83: {  	_ =	shalt  }
0x84: {  	_ =	shalt  }
0x85: {  	_ =	shalt  }
0x86: {  	_ =	shalt  }
0x87: {  	_ =	shalt  }
.Lfunc_end0:
.L_simem_size_0:
called_computation.1_lowered:
.L_overlay_start_0:
0x88: {  	s2 =	sld [smem:$0x3FD9]  }
0x89: {  	s3 =	sld [smem:$0x3FFE];
	_ =	sdelay $0x1  }
0x8a: {  	s1 =	srdreg.scid  }
0x8b: {  	s0 =	sand.u32 $0x1, s1  }
0x8c: {  	s16 =	sshll.u32 s0, $0xA;
	s2 =	sadd.s32 s3, s2  }
0x8d: {  	s2 =	sadd.s32 s2, s16  }
0x8e: {  	[smem:$0x3FC6] =	sst s2  }
0x8f: {  	_ = 	snop  }
0x90: {  	(tm) =	ssettm $0x1  }
0x91: {  	s17 =	sld [smem:$0x3FFB];
	_ =	sdelay $0x3  }
0x92: {  	_ =	strace s17  }
0x93: {  	s2 =	sld [smem:$0x3FFC];
	_ =	sdelay $0x3  }
0x94: {  	_ =	strace s2  }
0x95: {  	s2 =	sld [smem:$0x3FFD];
	_ =	sdelay $0x3  }
0x96: {  	_ =	strace s2  }
0x97: {  	_ =	strace $0x8FFFFFFF  }
0x98: {  	s18 =	sld [smem:$0x3FDB];
	_ =	sdelay $0x1  }
0x99: {  	s19 =	simm.s32 $_scs_section_size  }
0x9a: {  	s4 =	simm.s32 $_size__tile_overlayer_lowered;
	s5 =	simm.s32 $_tile_overlayer_lowered  }
0x9b: {  	s22 =	simm.s32 $0x1BFF;
	s21 =	sshll.u32 s5, $0x1;
	s2 =	sadd.s32 s19, s18  }
0x9c: {  	s6 =	simm.s32 $0x0;
	s20 =	sshll.u32 s4, $0x1;
	s4 =	sadd.s32 s21, s2  }
0x9d: {  	[timem:s6], [sflag:s22] =	dma.local [hbm:s4], s20  }
0x9e: {  	_ =	swait.ge [sflag:s22], s20  }
0x9f: {  	s3 =	ssub.s32 $0x0, s20;
	[sflag:s22] =	ssyncset.done $0x0  }
0xa0: {  	[sflag:s22] =	ssyncadd.s32 s3;
	_ =	sdelay $0x1  }
0xa1: {  	s23 =	simm.s32 $0x1B8B  }
0xa2: {  	_ =	swait.ge [sflag:s23], $0x1  }
0xa3: {  	[sflag:s23] =	ssyncset.done $0x0  }
0xa4: {  	s25 =	simm.s32 $0x1B8E;
	s24 =	sld [smem:$0x3FFE];
	[sflag:s23] =	ssyncadd.s32 $0xFFFFFFFF  }
0xa5: {  	s26 =	simm.s32 $execute0_lowered;
	[smem:$0x3FD2] =	sst s25  }
0xa6: {  	s4 =	sshll.u32 s26, $0x1;
	_ =	strace $0x80000046;
	[dreg:$0x1] =	wrdreg $0xFFFFFFFF  }
0xa7: {  	s28 =	simm.s32 $_size_execute0_lowered;
	s2 =	sadd.s32 s2, s4;
	[dreg:$0x0] =	wrdreg $0x0  }
0xa8: {  	s4 =	sshll.u32 s28, $0x1;
	[dreg:$0x2] =	wrdreg s2  }
0xa9: {  	[dreg:$0x3] =	wrdreg s4  }
0xaa: {  	[dreg:$0x4] =	wrdreg $0xC0  }
0xab: {  	_ =	task [dreg:s6], $0x5FFFF  }
0xac: {  	[dreg:$0x1] =	wrdreg $0xFFFFFFFF  }
0xad: {  	[dreg:$0x0] =	wrdreg $0x60  }
0xae: {  	[dreg:$0x2] =	wrdreg s24  }
0xaf: {  	[dreg:$0x3] =	wrdreg $0x9  }
0xb0: {  	_ =	task.clear_ibuf [dreg:s6], $0x4FFFF;
	_ =	strace $0x90000046  }
0xb1: {  	s29 =	simm.s32 $0x9;
	_ =	strace $0x80000048  }
0xb2: {  	_ =	swait.ge [sflag:s29], $0x1  }
0xb3: {  	[sflag:s29] =	ssyncadd.s32 $0xFFFFFFFF  }
0xb4: {  	_ =	strace $0x90000048  }
0xb5: {  	_ =	sfence  }
0xb6: {  	s30 =	sld [smem:$0x0];
	_ =	sdelay $0x2  }
0xb7: {  	s31 =	sshll.u32 s1, $0xD;
	s1 =	sshrl.u32 s1, $0x2  }
0xb8: {  	s3 =	sand.u32 $0x4000, s31;
	s1 =	sadd.s32 s1, s30  }
0xb9: {  	s0 =	sor.u32 s3, s0;
	s1 =	sshll.u32 s1, $0x11  }
0xba: {  	s0 =	sor.u32 s1, s0  }
0xbb: {  	s0 =	sadd.s32 $0x8F2B, s0  }
0xbc: {  	[sflag:s0] =	ssyncadd.remote.s32 $0x1  }
0xbd: {  	_ =	sfence.sel $0xFFFF  }
0xbe: {  	[dreg:$0x0] =	wrdreg $0xFFFFFFFF;
	(pc) =	sbr.abs _section_cstart, $3  }
0xbf: {  	[dreg:$0x1] =	wrdreg $0xFFFFFFFF  }
0xc0: {  	_ =	task.clear_ibuf [dreg:s6], $0x2FFFF;
	_ =	strace $0x9FFFFFFF  }
0xc1: {  	(tm) =	ssettm $0x7FFFFFFF  }
tec
execute0_lowered:
.L_overlay_start_1:
0x0: {  	(tag) =	ssettag $0x1  }
0x1: {  	s1 =	srdreg.scid;
	s0 =	stileid.u32  }
0x2: {  	s6 =	rddreg [dreg:$0x0];
	s2 =	simm.s32 $0x0;
	s13 =	simm.s32 $0x2500  }
0x3: {  	s24 =	simm.s32 $0x100;
	s25 =	simm.s32 $0x4500;
	s26 =	simm.s32 $0x180  }
0x4: {  	s28 =	simm.s32 $0x6500;
	s29 =	simm.s32 $0x200;
	[smem:$0x7FF] =	sst s2  }
0x5: {  	s30 =	simm.s32 $0x8500;
	_ =	strace $0x80000047;
	[dreg:$0x4] =	wrdreg s13  }
0x6: {  	s14 =	simm.s32 $0x300;
	s15 =	simm.s32 $0xC500;
	[dreg:$0x5] =	wrdreg s24  }
0x7: {  	s16 =	simm.s32 $0x380;
	s17 =	simm.s32 $0xE500;
	[dreg:$0x6] =	wrdreg s25  }
0x8: {  	s18 =	simm.s32 $0x400;
	s19 =	simm.s32 $0x10500;
	[dreg:$0x7] =	wrdreg s26  }
0x9: {  	s31 =	simm.s32 $0x480;
	s20 =	simm.s32 $0x4;
	[dreg:$0x8] =	wrdreg s28  }
0xa: {  	s21 =	simm.s32 $0x5;
	s9 =	sand.u32 $0x1, s1;
	[dreg:$0x9] =	wrdreg s29  }
0xb: {  	s3 =	sshll.u32 s0, $0x1;
	s4 =	sadd.s32 $0x64800, s6;
	[dreg:$0xa] =	wrdreg s30  }
0xc: {  	s5 =	sadd.s32 $0x800, s6;
	s6 =	sadd.s32 $0x805A00, s6;
	[dreg:$0xb] =	wrdreg s14  }
0xd: {  	s12 =	smul.u32 $0x32000, s0;
	s3 =	sor.u32 s9, s3;
	[dreg:$0xc] =	wrdreg s15  }
0xe: {  	s8 =	ssub.s32 $0x2, s9;
	s23 =	smul.u32 $0x19000, s9;
	[dreg:$0xd] =	wrdreg s16  }
0xf: {  	s13 =	simm.s32 $0x80;
	s14 =	simm.s32 $0x500;
	[dreg:$0xe] =	wrdreg s17  }
0x10: {  	s15 =	simm.s32 $0x3;
	s16 =	simm.s32 $0x40;
	[dreg:$0xf] =	wrdreg s18  }
0x11: {  	s17 =	simm.s32 $0x2;
	[dreg:$0x10] =	wrdreg s19;
	s3 =	smul.u32 $0x19000, s3  }
0x12: {  	s18 =	simm.s32 $0xA500;
	[dreg:$0x11] =	wrdreg s31;
	s10 =	sshrl.u32 s8, $0x1  }
0x13: {  	s19 =	simm.s32 $0x12500;
	s10 =	ssub.s32 s8, s10;
	s7 =	sshrl.u32 s3, $0x3  }
0x14: {  	s11 =	sor.u32 $0x780, s3;
	s22 =	sor.u32 $0x280, s3;
	s9 =	smax.u32 s10, $0x1  }
0x15: {  	s7 =	sadd.s32 s5, s7;
	[dreg:$0x2] =	wrdreg s11;
	s11 =	sadd.s32 s23, s12  }
0x16: {  	[dreg:$0x3] =	wrdreg s22;
	s12 =	simm.s32 $0x1;
	s11 =	sor.u32 $0x500, s11  }
0x17: {  	s22 =	simm.s32 $0x6;
	s23 =	simm.s32 $0x0;
	s11 =	sshrl.u32 s11, $0x3  }
0x18: {  	s8 =	sadd.s32 $0x50, s7;
	s10 =	sadd.s32 s11, s5;
	s11 =	simm.s32 $0x280  }
.LBB2_1:
0x19: {  	[tilespmem:s2], [sflag:$0x1] =	stream.linear.gather [hbm4b:s7+s2], $0x280, $0x38;
	[tilespmem:$0x14500] =	vst v63  }
0x1a: {  	_ = 	snop  }
0x1b: {  	[tilespmem:s11], [sflag:$0x2] =	stream.linear.gather [hbm4b:s8+s2], $0x280, $0x38;
	[tilespmem:$0x14500] =	vst v63  }
0x1c: {  	_ =	swait.ge [sflag:s12], $0x280  }
0x1d: {  	p1 =	por $0x1, $0x1;
	[sflag:s12] =	ssyncset.done $0x0  }
0x1e: {  	s24 =	simm.s32 @!p1 $0x5;
	[sflag:s12] =	ssyncadd.s32 $0xFFFFFD80  }
0x1f: {  	_ =	swait.ge @!p1 [sflag:s24], $0xA000  }
0x20: {  	s25 =	rddreg [dreg:$0x7]  }
0x21: {  	[sflag:s24] =	ssyncset.done @!p1 $0x0;
	s26 =	rddreg [dreg:$0x4]  }
0x22: {  	s1 =	rddreg [dreg:$0x6];
	[sflag:s24] =	ssyncadd.s32 @!p1 $0xFFFF6000  }
0x23: {  	[tilespmem:s14], [sflag:$0x3] =	stream.indirect.gather [hbm4b:s4+s13], $0x40, s2, s13, $0xb8;
	[tilespmem:$0x14500] =	vst v63  }
0x24: {  	s28 =	rddreg [dreg:$0x5]  }
0x25: {  	[tilespmem:s26], [sflag:$0x3] =	stream.indirect.gather [hbm4b:s4+s13], $0x40, s13, s13, $0xb8;
	[tilespmem:$0x14500] =	vst v63  }
0x26: {  	s29 =	rddreg [dreg:$0x9]  }
0x27: {  	[tilespmem:s1], [sflag:$0x3] =	stream.indirect.gather [hbm4b:s4+s13], $0x40, s28, s13, $0xb8;
	[tilespmem:$0x14500] =	vst v63  }
0x28: {  	s30 =	rddreg [dreg:$0x8]  }
0x29: {  	[tilespmem:s30], [sflag:$0x3] =	stream.indirect.gather [hbm4b:s4+s13], $0x40, s25, s13, $0xb8;
	[tilespmem:$0x14500] =	vst v63  }
0x2a: {  	s31 =	rddreg [dreg:$0xa]  }
0x2b: {  	[tilespmem:s31], [sflag:$0x3] =	stream.indirect.gather [hbm4b:s4+s13], $0x40, s29, s13, $0xb8;
	[tilespmem:$0x14500] =	vst v63  }
0x2c: {  	_ =	swait.ge [sflag:s15], $0x2000  }
0x2d: {  	[sflag:s15] =	ssyncset.done $0x0  }
0x2e: {  	[sflag:s15] =	ssyncadd.s32 $0xFFFFE000  }
0x2f: {  	_ =	swait.ge [sflag:s15], $0x2000  }
0x30: {  	[sflag:s15] =	ssyncset.done $0x0  }
0x31: {  	[sflag:s15] =	ssyncadd.s32 $0xFFFFE000  }
0x32: {  	_ =	swait.ge [sflag:s15], $0x2000  }
0x33: {  	[sflag:s15] =	ssyncset.done $0x0  }
0x34: {  	[sflag:s15] =	ssyncadd.s32 $0xFFFFE000  }
0x35: {  	_ =	swait.ge [sflag:s15], $0x2000  }
0x36: {  	[sflag:s15] =	ssyncset.done $0x0  }
0x37: {  	p0 =	por $0x0, $0x0;
	s26 =	simm.s32 $0x0;
	[sflag:s15] =	ssyncadd.s32 $0xFFFFE000  }
0x38: {  	s26 =	simm.s32 @p0 $0x18B00;
	_ =	swait.ge [sflag:s15], $0x2000  }
0x39: {  	s0 =	sadd.s32 s3, s26;
	[sflag:s15] =	ssyncset.done $0x0  }
0x3a: {  	s28 =	simm.s32 @!p0 $0x0;
	s24 =	sshll.u32 s0, $0x4;
	[sflag:s15] =	ssyncadd.s32 $0xFFFFE000  }
0x3b: {  	[tilespmem:s28], [sflag:$0x1] =	stream.linear.gather @!p0 [hbm4b:s10+s28], $0x280, $0x38;
	[tilespmem:$0x14500] =	vst v63  }
0x3c: {  	s24 =	sadd.s32 s6, s24  }
0x3d: {  	[hbm4b:s24+s16] =	stream.strided.scatter [tilespmem:s14], [sflag:$0x5], $0xA000, s13, s16, $0x38;
	[tilespmem:$0x14500] =	vst v63  }
0x3e: {  	_ =	swait.ge [sflag:s17], $0x280  }
0x3f: {  	[sflag:s17] =	ssyncset.done $0x0  }
0x40: {  	s24 =	simm.s32 @!p1 $0x6;
	[sflag:s17] =	ssyncadd.s32 $0xFFFFFD80  }
0x41: {  	_ =	swait.ge @!p1 [sflag:s24], $0xA000  }
0x42: {  	s1 =	rddreg [dreg:$0xb]  }
0x43: {  	s29 =	rddreg [dreg:$0xd];
	[sflag:s24] =	ssyncset.done @!p1 $0x0  }
0x44: {  	s30 =	rddreg [dreg:$0xc];
	[sflag:s24] =	ssyncadd.s32 @!p1 $0xFFFF6000  }
0x45: {  	[tilespmem:s18], [sflag:$0x4] =	stream.indirect.gather [hbm4b:s4+s13], $0x40, s11, s13, $0xb8;
	[tilespmem:$0x14500] =	vst v63  }
0x46: {  	s0 =	rddreg [dreg:$0xe]  }
0x47: {  	[tilespmem:s30], [sflag:$0x4] =	stream.indirect.gather [hbm4b:s4+s13], $0x40, s1, s13, $0xb8;
	[tilespmem:$0x14500] =	vst v63  }
0x48: {  	s31 =	rddreg [dreg:$0x10]  }
0x49: {  	[tilespmem:s0], [sflag:$0x4] =	stream.indirect.gather [hbm4b:s4+s13], $0x40, s29, s13, $0xb8;
	[tilespmem:$0x14500] =	vst v63  }
0x4a: {  	s1 =	rddreg [dreg:$0xf]  }
0x4b: {  	[tilespmem:s31], [sflag:$0x4] =	stream.indirect.gather [hbm4b:s4+s13], $0x40, s1, s13, $0xb8;
	[tilespmem:$0x14500] =	vst v63  }
0x4c: {  	s30 =	rddreg [dreg:$0x11]  }
0x4d: {  	[tilespmem:s19], [sflag:$0x4] =	stream.indirect.gather [hbm4b:s4+s13], $0x40, s30, s13, $0xb8;
	[tilespmem:$0x14500] =	vst v63  }
0x4e: {  	_ =	swait.ge [sflag:s20], $0x2000  }
0x4f: {  	[sflag:s20] =	ssyncset.done $0x0  }
0x50: {  	[sflag:s20] =	ssyncadd.s32 $0xFFFFE000  }
0x51: {  	_ =	swait.ge [sflag:s20], $0x2000  }
0x52: {  	[sflag:s20] =	ssyncset.done $0x0  }
0x53: {  	[sflag:s20] =	ssyncadd.s32 $0xFFFFE000  }
0x54: {  	_ =	swait.ge [sflag:s20], $0x2000  }
0x55: {  	[sflag:s20] =	ssyncset.done $0x0  }
0x56: {  	[sflag:s20] =	ssyncadd.s32 $0xFFFFE000  }
0x57: {  	_ =	swait.ge [sflag:s20], $0x2000  }
0x58: {  	[sflag:s20] =	ssyncset.done $0x0  }
0x59: {  	[sflag:s20] =	ssyncadd.s32 $0xFFFFE000  }
0x5a: {  	s25 =	smov.u32 s10;
	s24 =	simm.s32 $0x500;
	_ =	swait.ge [sflag:s20], $0x2000  }
.LBB2_2:
0x5b: {  	s30 =	rddreg [dreg:$0x2]  }
0x5c: {  	s31 =	rddreg [dreg:$0x3]  }
0x5d: {  	s1 =	simm.s32 @!p0 $0x280;
	s30 =	sadd.s32 @!p0 s26, s30;
	s0 =	sadd.s32 s26, s31  }
0x5e: {  	[sflag:s20] =	ssyncset.done $0x0;
	s30 =	sshrl.u32 @!p0 s30, $0x3;
	s26 =	sshll.u32 s0, $0x4  }
0x5f: {  	[sflag:s20] =	ssyncadd.s32 $0xFFFFE000;
	s30 =	sadd.s32 @!p0 s5, s30;
	s31 =	sand.u32 $0x1FFFF800, s26  }
0x60: {  	[tilespmem:s1], [sflag:$0x2] =	stream.linear.gather @!p0 [hbm4b:s30+s28], $0x280, $0x38;
	[tilespmem:$0x14500] =	vst v63  }
0x61: {  	s1 =	sadd.s32 s6, s31  }
0x62: {  	[hbm4b:s1+s16] =	stream.strided.scatter [tilespmem:s18], [sflag:$0x6], $0xA000, s13, s16, $0x38;
	[tilespmem:$0x14500] =	vst v63  }
0x63: {  	s29 =	smov.u32 s24;
	_ =	swait.ge [sflag:s12], $0x280  }
0x64: {  	p2 =	seq.s32 s29, $0x0;
	[sflag:s12] =	ssyncset.done $0x0  }
0x65: {  	s1 =	simm.s32 @!p2 $0x5;
	[sflag:s12] =	ssyncadd.s32 $0xFFFFFD80  }
0x66: {  	_ =	swait.ge @!p2 [sflag:s1], $0xA000  }
0x67: {  	s26 =	rddreg [dreg:$0x7]  }
0x68: {  	[sflag:s1] =	ssyncset.done @!p2 $0x0;
	s28 =	rddreg [dreg:$0x4]  }
0x69: {  	s0 =	rddreg [dreg:$0x5];
	[sflag:s1] =	ssyncadd.s32 @!p2 $0xFFFF6000  }
0x6a: {  	[tilespmem:s14], [sflag:$0x3] =	stream.indirect.gather [hbm4b:s4+s13], $0x40, s2, s13, $0xb8;
	[tilespmem:$0x14500] =	vst v63  }
0x6b: {  	s31 =	rddreg [dreg:$0x9]  }
0x6c: {  	[tilespmem:s28], [sflag:$0x3] =	stream.indirect.gather [hbm4b:s4+s13], $0x40, s13, s13, $0xb8;
	[tilespmem:$0x14500] =	vst v63  }
0x6d: {  	s1 =	rddreg [dreg:$0x6]  }
0x6e: {  	[tilespmem:s1], [sflag:$0x3] =	stream.indirect.gather [hbm4b:s4+s13], $0x40, s0, s13, $0xb8;
	[tilespmem:$0x14500] =	vst v63  }
0x6f: {  	s28 =	rddreg [dreg:$0x8]  }
0x70: {  	[tilespmem:s28], [sflag:$0x3] =	stream.indirect.gather [hbm4b:s4+s13], $0x40, s26, s13, $0xb8;
	[tilespmem:$0x14500] =	vst v63  }
0x71: {  	s0 =	rddreg [dreg:$0xa]  }
0x72: {  	[tilespmem:s0], [sflag:$0x3] =	stream.indirect.gather [hbm4b:s4+s13], $0x40, s31, s13, $0xb8;
	[tilespmem:$0x14500] =	vst v63  }
0x73: {  	_ =	swait.ge [sflag:s15], $0x2000  }
0x74: {  	[sflag:s15] =	ssyncset.done $0x0  }
0x75: {  	[sflag:s15] =	ssyncadd.s32 $0xFFFFE000  }
0x76: {  	_ =	swait.ge [sflag:s15], $0x2000  }
0x77: {  	[sflag:s15] =	ssyncset.done $0x0  }
0x78: {  	[sflag:s15] =	ssyncadd.s32 $0xFFFFE000  }
0x79: {  	_ =	swait.ge [sflag:s15], $0x2000  }
0x7a: {  	[sflag:s15] =	ssyncset.done $0x0  }
0x7b: {  	[sflag:s15] =	ssyncadd.s32 $0xFFFFE000  }
0x7c: {  	_ =	swait.ge [sflag:s15], $0x2000  }
0x7d: {  	[sflag:s15] =	ssyncset.done $0x0  }
0x7e: {  	p0 =	seq.s32 s29, $0x18B00;
	s26 =	smov.u32 s29;
	[sflag:s15] =	ssyncadd.s32 $0xFFFFE000  }
0x7f: {  	s26 =	simm.s32 @p0 $0x18B00;
	_ =	swait.ge [sflag:s15], $0x2000  }
0x80: {  	s25 =	sadd.s32 $0xA0, s25;
	s29 =	sadd.s32 s3, s26;
	[sflag:s15] =	ssyncset.done $0x0  }
0x81: {  	s28 =	simm.s32 @!p0 $0x0;
	s1 =	sshll.u32 s29, $0x4;
	[sflag:s15] =	ssyncadd.s32 $0xFFFFE000  }
0x82: {  	[tilespmem:s28], [sflag:$0x1] =	stream.linear.gather @!p0 [hbm4b:s25+s28], $0x280, $0x38;
	[tilespmem:$0x14500] =	vst v63  }
0x83: {  	s1 =	sadd.s32 s6, s1  }
0x84: {  	[hbm4b:s1+s16] =	stream.strided.scatter [tilespmem:s14], [sflag:$0x5], $0xA000, s13, s16, $0x38;
	[tilespmem:$0x14500] =	vst v63  }
0x85: {  	_ =	swait.ge [sflag:s17], $0x280  }
0x86: {  	[sflag:s17] =	ssyncset.done $0x0  }
0x87: {  	s1 =	simm.s32 @!p2 $0x6;
	[sflag:s17] =	ssyncadd.s32 $0xFFFFFD80  }
0x88: {  	_ =	swait.ge @!p2 [sflag:s1], $0xA000  }
0x89: {  	s29 =	rddreg [dreg:$0xb]  }
0x8a: {  	[sflag:s1] =	ssyncset.done @!p2 $0x0;
	s30 =	rddreg [dreg:$0xc]  }
0x8b: {  	s31 =	rddreg [dreg:$0xe];
	[sflag:s1] =	ssyncadd.s32 @!p2 $0xFFFF6000  }
0x8c: {  	[tilespmem:s18], [sflag:$0x4] =	stream.indirect.gather [hbm4b:s4+s13], $0x40, s11, s13, $0xb8;
	[tilespmem:$0x14500] =	vst v63  }
0x8d: {  	s0 =	rddreg [dreg:$0x10]  }
0x8e: {  	[tilespmem:s30], [sflag:$0x4] =	stream.indirect.gather [hbm4b:s4+s13], $0x40, s29, s13, $0xb8;
	[tilespmem:$0x14500] =	vst v63  }
0x8f: {  	s1 =	rddreg [dreg:$0xd]  }
0x90: {  	[tilespmem:s31], [sflag:$0x4] =	stream.indirect.gather [hbm4b:s4+s13], $0x40, s1, s13, $0xb8;
	[tilespmem:$0x14500] =	vst v63  }
0x91: {  	s30 =	rddreg [dreg:$0xf]  }
0x92: {  	[tilespmem:s0], [sflag:$0x4] =	stream.indirect.gather [hbm4b:s4+s13], $0x40, s30, s13, $0xb8;
	[tilespmem:$0x14500] =	vst v63  }
0x93: {  	s31 =	rddreg [dreg:$0x11]  }
0x94: {  	[tilespmem:s19], [sflag:$0x4] =	stream.indirect.gather [hbm4b:s4+s13], $0x40, s31, s13, $0xb8;
	[tilespmem:$0x14500] =	vst v63  }
0x95: {  	_ =	swait.ge [sflag:s20], $0x2000  }
0x96: {  	[sflag:s20] =	ssyncset.done $0x0  }
0x97: {  	[sflag:s20] =	ssyncadd.s32 $0xFFFFE000  }
0x98: {  	_ =	swait.ge [sflag:s20], $0x2000  }
0x99: {  	[sflag:s20] =	ssyncset.done $0x0  }
0x9a: {  	[sflag:s20] =	ssyncadd.s32 $0xFFFFE000  }
0x9b: {  	s24 =	sadd.s32 $0x500, s24;
	_ =	swait.ge [sflag:s20], $0x2000  }
0x9c: {  	p1 =	sne.s32 s24, $0x19000;
	[sflag:s20] =	ssyncset.done $0x0  }
.Ltmp0:
0x9d: {  	[sflag:s20] =	ssyncadd.s32 $0xFFFFE000;
	(pc) =	sbr.rel @p1 .LBB2_2-.Ltmp0, $4  }
0x9e: {  	_ =	swait.ge [sflag:s20], $0x2000  }
0x9f: {  	[sflag:s20] =	ssyncset.done $0x0  }
0xa0: {  	[sflag:s20] =	ssyncadd.s32 $0xFFFFE000  }
0xa1: {  	_ =	swait.ge [sflag:s20], $0x2000  }
0xa2: {  	s0 =	rddreg [dreg:$0x2]  }
0xa3: {  	s1 =	rddreg [dreg:$0x3]  }
0xa4: {  	s24 =	simm.s32 @!p0 $0x280;
	s0 =	sadd.s32 @!p0 s26, s0;
	s1 =	sadd.s32 s26, s1  }
0xa5: {  	[sflag:s20] =	ssyncset.done $0x0;
	s0 =	sshrl.u32 @!p0 s0, $0x3;
	s1 =	sshll.u32 s1, $0x4  }
0xa6: {  	[sflag:s20] =	ssyncadd.s32 $0xFFFFE000;
	s0 =	sadd.s32 @!p0 s5, s0;
	s31 =	sand.u32 $0x1FFFF800, s1  }
0xa7: {  	[tilespmem:s24], [sflag:$0x2] =	stream.linear.gather @!p0 [hbm4b:s0+s28], $0x280, $0x38;
	[tilespmem:$0x14500] =	vst v63  }
0xa8: {  	s23 =	sadd.s32 $0x1, s23;
	s0 =	sadd.s32 s6, s31  }
0xa9: {  	[hbm4b:s0+s16] =	stream.strided.scatter [tilespmem:s18], [sflag:$0x6], $0xA000, s13, s16, $0x38;
	[tilespmem:$0x14500] =	vst v63  }
0xaa: {  	p0 =	sne.s32 s23, s9;
	_ =	swait.ge [sflag:s21], $0xA000  }
.Ltmp1:
0xab: {  	[sflag:s21] =	ssyncset.done $0x0;
	(pc) =	sbr.rel @p0 .LBB2_1-.Ltmp1, $4  }
0xac: {  	[sflag:s21] =	ssyncadd.s32 $0xFFFF6000  }
0xad: {  	_ =	swait.ge [sflag:s22], $0xA000  }
0xae: {  	[sflag:s22] =	ssyncset.done $0x0  }
0xaf: {  	[sflag:s22] =	ssyncadd.s32 $0xFFFF6000  }
0xb0: {  	_ =	sfence.sel $0x180000  }
0xb1: {  	[bflag:$0x0] =	sbarrier.arrive $0xFFFF  }
0xb2: {  	_ =	strace $0x90000047  }
0xb3: {  	s0 =	stileid.u32;
	[bflag:$0x2] =	sbarrier.arrive $0xFFFF  }
0xb4: {  	p0 =	sne.s32 s0, $0x0;
	s0 =	rddreg [dreg:$0x1]  }
0xb5: {  	s0 =	sadd.s32 @!p0 $0x100000, s0  }
0xb6: {  	[sflag:s0] =	ssyncadd.tile.s32 @!p0 $0x1;
	_ =	shalt  }
.Lfunc_end2:
_tile_overlayer_lowered:
.L_overlay_start_2:
0xb7: {  	(tag) =	ssettag $0x2  }
0xb8: {  	s0 =	rddreg [dreg:$0x0];
	s2 =	stileid.u32  }
0xb9: {  	s1 =	rddreg [dreg:$0x1];
	p0 =	sne.s32 s2, $0x0  }
0xba: {  	s3 =	rddreg [dreg:$0x2];
	[bflag:$0x3] =	sbarrier.arrive $0xFFFF;
	s2 =	simm.s32 @!p0 $0x1C07  }
0xbb: {  	[timem:s3], [sflag:s2] =	dma.local @!p0 [hbm:s0], s1  }
0xbc: {  	s0 =	simm.s32 @!p0 $0x7  }
0xbd: {  	_ =	swait.ge @!p0 [sflag:s0], s1  }
0xbe: {  	s1 =	ssub.s32 @!p0 $0x0, s1;
	[sflag:s0] =	ssyncset.done @!p0 $0x0  }
0xbf: {  	[sflag:s0] =	ssyncadd.s32 @!p0 s1  }
0xc0: {  	[bflag:$0x3] =	sbarrier.arrive $0xFFFF  }
0xc1: {  	_ =	shalt  }

// kernel: sparse-core-data-format-call.cloned.1.call-start
scs
called_computation_lowered:
.L_overlay_start_0:
0x0: {  	s2 =	sld [smem:$0x3FD9]  }
0x1: {  	s3 =	sld [smem:$0x3FFE];
	_ =	sdelay $0x1  }
0x2: {  	s1 =	srdreg.scid  }
0x3: {  	s0 =	sand.u32 $0x1, s1  }
0x4: {  	s18 =	sshll.u32 s0, $0xA;
	s2 =	sadd.s32 s3, s2  }
0x5: {  	s2 =	sadd.s32 s2, s18  }
0x6: {  	[smem:$0x3FC6] =	sst s2  }
0x7: {  	_ = 	snop  }
0x8: {  	s2 =	sld [smem:$0x3FD0];
	(tm) =	ssettm $0x1  }
0x9: {  	s19 =	sld [smem:$0x3FFB];
	_ =	sdelay $0x3  }
0xa: {  	_ =	strace s19  }
0xb: {  	s3 =	sld [smem:$0x3FFC];
	_ =	sdelay $0x3  }
0xc: {  	_ =	strace s3  }
0xd: {  	s3 =	sld [smem:$0x3FFD];
	_ =	sdelay $0x3  }
0xe: {  	_ =	strace s3  }
0xf: {  	_ =	strace $0x8FFFFFFF  }
0x10: {  	s20 =	sld [smem:$0x3FDB];
	_ =	sdelay $0x1  }
0x11: {  	s4 =	simm.s32 $_scs_section_size  }
0x12: {  	s5 =	simm.s32 $_size__tile_overlayer_lowered;
	s6 =	simm.s32 $_tile_overlayer_lowered  }
0x13: {  	s23 =	simm.s32 $0x1BFF;
	s22 =	sshll.u32 s6, $0x1;
	s3 =	sadd.s32 s4, s20  }
0x14: {  	s7 =	simm.s32 $0x0;
	s21 =	sshll.u32 s5, $0x1;
	s5 =	sadd.s32 s22, s3  }
0x15: {  	[timem:s7], [sflag:s23] =	dma.local [hbm:s5], s21  }
0x16: {  	_ =	swait.ge [sflag:s23], s21  }
0x17: {  	s4 =	ssub.s32 $0x0, s21;
	[sflag:s23] =	ssyncset.done $0x0  }
0x18: {  	[sflag:s23] =	ssyncadd.s32 s4;
	_ =	sdelay $0x1  }
0x19: {  	s24 =	simm.s32 $0x1B8B  }
0x1a: {  	_ =	swait.ge [sflag:s24], $0x1  }
0x1b: {  	[sflag:s24] =	ssyncset.done $0x0  }
0x1c: {  	s26 =	simm.s32 $0x1B8E;
	s25 =	sld [smem:$0x3FFE];
	[sflag:s24] =	ssyncadd.s32 $0xFFFFFFFF  }
0x1d: {  	s27 =	simm.s32 $execute0_lowered;
	[smem:$0x3FD2] =	sst s26  }
0x1e: {  	s5 =	sshll.u32 s27, $0x1;
	_ =	strace $0x80000049;
	[dreg:$0x1] =	wrdreg $0xFFFFFFFF  }
0x1f: {  	s28 =	simm.s32 $_size_execute0_lowered;
	s3 =	sadd.s32 s3, s5;
	[dreg:$0x0] =	wrdreg $0x0  }
0x20: {  	s5 =	sshll.u32 s28, $0x1;
	[dreg:$0x2] =	wrdreg s3  }
0x21: {  	[dreg:$0x3] =	wrdreg s5  }
0x22: {  	[dreg:$0x4] =	wrdreg $0xC0  }
0x23: {  	_ =	task [dreg:s7], $0x5FFFF  }
0x24: {  	[dreg:$0x1] =	wrdreg $0xFFFFFFFF  }
0x25: {  	[dreg:$0x0] =	wrdreg $0x60  }
0x26: {  	[dreg:$0x2] =	wrdreg s25  }
0x27: {  	[dreg:$0x3] =	wrdreg s2  }
0x28: {  	[dreg:$0x4] =	wrdreg $0x9  }
0x29: {  	_ =	task.clear_ibuf [dreg:s7], $0x5FFFF;
	_ =	strace $0x90000049  }
0x2a: {  	s29 =	simm.s32 $0x9;
	_ =	strace $0x8000004B  }
0x2b: {  	_ =	swait.ge [sflag:s29], $0x1  }
0x2c: {  	[sflag:s29] =	ssyncadd.s32 $0xFFFFFFFF  }
0x2d: {  	_ =	strace $0x9000004B  }
0x2e: {  	_ =	sfence  }
0x2f: {  	s30 =	sld [smem:$0x0];
	_ =	sdelay $0x2  }
0x30: {  	s31 =	sshll.u32 s1, $0xD;
	s1 =	sshrl.u32 s1, $0x2  }
0x31: {  	s3 =	sand.u32 $0x4000, s31;
	s1 =	sadd.s32 s1, s30  }
0x32: {  	s0 =	sor.u32 s3, s0;
	s1 =	sshll.u32 s1, $0x11  }
0x33: {  	s0 =	sor.u32 s1, s0  }
0x34: {  	s0 =	sadd.s32 $0x8F2B, s0  }
0x35: {  	[sflag:s0] =	ssyncadd.remote.s32 $0x1  }
0x36: {  	_ =	sfence.sel $0xFFFF  }
0x37: {  	[dreg:$0x0] =	wrdreg $0xFFFFFFFF;
	(pc) =	sbr.abs _section_cstart, $3  }
0x38: {  	[dreg:$0x1] =	wrdreg $0xFFFFFFFF  }
0x39: {  	_ =	task.clear_ibuf [dreg:s7], $0x2FFFF;
	_ =	strace $0x9FFFFFFF  }
0x3a: {  	(tm) =	ssettm $0x7FFFFFFF  }
0x3b: {  	_ =	shalt  }
tec
execute0_lowered:
.L_overlay_start_1:
0x0: {  	(tag) =	ssettag $0x1  }
0x1: {  	s0 =	srdreg.scid  }
0x2: {  	s1 =	sshll.u32 s0, $0x4  }
0x3: {  	s0 =	stileid.u32;
	s1 =	sand.u32 $0x10, s1  }
0x4: {  	s1 =	sor.u32 s0, s1  }
0x5: {  	s6 =	rddreg [dreg:$0x0];
	s4 =	simm.s32 $0x1;
	s2 =	sshll.u32 s1, $0x7  }
0x6: {  	s7 =	simm.s32 $0x2;
	s12 =	simm.s32 $0x0;
	s1 =	ssub.s32 $0x4000, s2  }
0x7: {  	s8 =	simm.s32 $0x20000;
	s13 =	simm.s32 $0x0;
	s3 =	sand.u32 $0xF80, s1  }
0x8: {  	s9 =	simm.s32 $0x0;
	s5 =	sshrl.u32 s1, $0xC;
	p0 =	sne.s32 s3, $0x0  }
.Ltmp0:
0x9: {  	s1 =	rddreg [dreg:$0x2];
	s4 =	simm.s32 @!p0 $0x0;
	(pc) =	sbr.rel .LBB1_1-.Ltmp0, $4  }
0xa: {  	s11 =	simm.s32 $0x0;
	s3 =	rddreg [dreg:$0x1];
	s5 =	sadd.s32 s4, s5  }
0xb: {  	_ =	strace $0x8000004A;
	s4 =	simm.s32 $0x1;
	s5 =	smul.u32 $0xC8, s5  }
0xc: {  	s6 =	sadd.s32 $0x805A00, s6;
	s10 =	smov.u32 s2;
	[sflag:s4] =	ssyncpa.u1 $0x0  }
0xd: {  	p0 =	por $0x0, $0x0;
	[sflag:s7] =	ssyncpa.u1 $0x0;
	s7 =	sor.u32 $0x1, s5  }
.LBB1_4:
0xe: {  	s16 =	sshll.u32 s13, $0x3;
	s17 =	sand.u32 $0x78, s13  }
0xf: {  	s30 =	sand.u32 $0x1F800, s13;
	s12 =	sshll.u32 s12, $0x11;
	s16 =	sand.u32 $0x3C00, s16  }
0x10: {  	[tilespmem:s15+$0x810 ss:$0x81] =	vst.msk $0xffff, v2;
	s31 =	sand.u32 $0x7, s13;
	s16 =	sor.u32 s17, s16;
	s17 =	sadd.s32 s3, s30  }
0x11: {  	[tilespmem:s15+$0x1020 ss:$0x81] =	vst.msk $0xffff, v0;
	s13 =	sshll.u32 s31, $0x12;
	s12 =	sadd.s32 s12, s17;
	s16 =	sshrl.u32 s16, $0x3  }
0x12: {  	[tilespmem:s15+$0x0 ss:$0x81] =	vst.msk $0xffff, v1;
	s13 =	sor.u32 $0x400, s13;
	s12 =	sadd.s32 s16, s12  }
0x13: {  	[hbm4b:s12+s13] =	stream.strided.scatter [tilespmem:s14], [sflag:$0x2], $0x2000, s8, s13, $0x20;
	[tilespmem:$0x8080] =	vst v63  }
.LBB1_5:
0x14: {  	s14 =	sadd.s32 $0x1, s9  }
0x15: {  	s12 =	sadd.s32 $0x1000, s10;
	s16 =	smov.u32 s10;
	p2 =	sgt.s32 s14, $0xC7  }
0x16: {  	s16 =	smov.u32 @p2 s12  }
0x17: {  	s14 =	simm.s32 @p2 $0x0;
	p2 =	sgt.s32 s16, $0x3FFF  }
0x18: {  	s16 =	smov.u32 @p2 s2;
	p2 =	sne.s32 s11, s7  }
.Ltmp1:
0x19: {  	p1 =	slt.u32 s11, $0x2;
	(pc) =	sbr.rel @!p2 .LBB1_6-.Ltmp1, $4  }
0x1a: {  	s15 =	simm.s32 @!p1 $0x2  }
0x1b: {  	s13 =	smov.u32 s10;
	p0 =	por !p0, !p0;
	_ =	swait.ge @!p1 [sflag:s15], $0x2000  }
0x1c: {  	s12 =	smov.u32 s9;
	[sflag:s15] =	ssyncset.done @!p1 $0x0;
	s9 =	smov.u32 s14  }
0x1d: {  	s11 =	sadd.s32 $0x1, s11;
	[sflag:s15] =	ssyncadd.s32 @!p1 $0xFFFFE000;
	s10 =	smov.u32 s16  }
.LBB1_1:
0x1e: {  	p1 =	sge.u32 s11, s5  }
0x1f: {  	s14 =	sand.u32 @!p1 $0x1FFFFFF, s9  }
0x20: {  	s15 =	smulhi.u32 @!p1 $0x147AE15, s14;
	_ =	sdelay $0x1  }
0x21: {  	s15 =	smul.u32 @!p1 $0xC8, s15  }
0x22: {  	s16 =	sxor.u32 @!p1 $0xFFFFFFFF, s11;
	s17 =	smul.u32 @!p1 $0xC80, s10  }
0x23: {  	s31 =	sadd.s32 $0xFFFFFFFF, s11;
	s16 =	sshll.u32 @!p1 s16, $0xD;
	s14 =	ssub.s32 @!p1 s14, s15  }
0x24: {  	s15 =	sand.u32 @!p1 $0x2000, s16;
	s16 =	sadd.s32 @!p1 s6, s17;
	s14 =	sshll.u32 @!p1 s14, $0x4  }
0x25: {  	s17 =	simm.s32 @!p1 $0x6400;
	s14 =	sadd.s32 @!p1 s14, s16;
	s16 =	simm.s32 @!p1 $0x40  }
0x26: {  	[tilespmem:s15], [sflag:$0x1] =	stream.strided.gather @!p1 [hbm4b:s14+s16], $0x2000, s17, s16, $0x38;
	[tilespmem:$0x8080] =	vst v63  }
0x27: {  	p1 =	sge.u32 s31, s5  }
.Ltmp2:
0x28: {  	_ = 	snop;
	(pc) =	sbr.rel @p1 .LBB1_5-.Ltmp2, $1  }
0x29: {  	_ =	sdelay $0x3  }
0x2a: {  	s14 =	simm.s32 $0x1  }
0x2b: {  	_ =	swait.ge [sflag:s4], $0x2000;
	s14 =	simm.s32 @!p0 $0x0  }
0x2c: {  	[sflag:s4] =	ssyncset.done $0x0;
	s15 =	sshll.u32 s14, $0xD  }
0x2d: {  	[sflag:s4] =	ssyncadd.s32 $0xFFFFE000;
	s18 =	sor.u32 $0x20, s15  }
0x2e: {  	s14 =	smul.u32 $0x8100, s14;
	v3 =	vld [tilespmem:s18+$0x10]  }
0x2f: {  	s30 =	sand.u32 $0x1, s11;
	v2 =	vld [tilespmem:s18+$0xFFFFFFF0]  }
0x30: {  	s15 =	smul.u32 $0x8100, s30;
	s14 =	sshrl.u32 s14, $0x2;
	v0 =	vld [tilespmem:s18+$0x0]  }
0x31: {  	v1 =	vld [tilespmem:s18+$0xFFFFFFE0];
	s16 =	sor.u32 $0x4000, s14  }
0x32: {  	s31 =	sshrl.u32 s15, $0x2;
	s15 =	sadd.s32 $0x0, s16  }
0x33: {  	s17 =	simm.s32 $0x4;
	s18 =	sadd.s32 $0x40, s18;
	s14 =	sor.u32 $0x4000, s31;
	[tilespmem:s15+$0x1830 ss:$0x81] =	vst.msk $0xffff, v3  }
.LBB1_3:
0x34: {  	v3 =	vld [tilespmem:s18+$0x10];
	p1 =	sne.s32 s17, $0x1FC;
	[tilespmem:s15+$0x810 ss:$0x81] =	vst.msk $0xffff, v2;
	s19 =	smov.u32 s17;
	s17 =	sadd.s32 $0x4, s17  }
.Ltmp3:
0x35: {  	v2 =	vld [tilespmem:s18+$0xFFFFFFF0];
	[tilespmem:s15+$0x1020 ss:$0x81] =	vst.msk $0xffff, v0;
	(pc) =	sbr.rel @p1 .LBB1_3-.Ltmp3, $4  }
0x36: {  	v0 =	vld [tilespmem:s18+$0x0];
	[tilespmem:s15+$0x0 ss:$0x81] =	vst.msk $0xffff, v1  }
0x37: {  	s15 =	sshra.s32 s19, $0x2;
	v1 =	vld [tilespmem:s18+$0xFFFFFFE0]  }
0x38: {  	s15 =	sadd.s32 s15, s16  }
0x39: {  	s18 =	sadd.s32 $0x40, s18;
	[tilespmem:s15+$0x1830 ss:$0x81] =	vst.msk $0xffff, v3  }
.Ltmp4:
0x3a: {  	_ = 	snop;
	(pc) =	sbr.rel .LBB1_4-.Ltmp4, $1  }
0x3b: {  	_ =	sdelay $0x3  }
.LBB1_6:
0x3c: {  	_ =	sfence.sel $0x180000  }
0x3d: {  	s2 =	simm.s32 $0x1;
	[bflag:$0x0] =	sbarrier.arrive $0xFFFF  }
0x3e: {  	s31 =	simm.s32 $0x2;
	[sflag:s2] =	ssyncpa.u1 $0x1  }
0x3f: {  	[sflag:s31] =	ssyncpa.u1 $0x1  }
0x40: {  	p0 =	sne.s32 s0, $0x0;
	_ =	strace $0x9000004A  }
0x41: {  	s0 =	sadd.s32 @!p0 $0x100000, s1;
	[bflag:$0x2] =	sbarrier.arrive $0xFFFF  }
0x42: {  	[sflag:s0] =	ssyncadd.tile.s32 @!p0 $0x1;
	_ =	shalt  }
.Lfunc_end1:
_tile_overlayer_lowered:
.L_overlay_start_2:
0x43: {  	(tag) =	ssettag $0x2  }
0x44: {  	s0 =	rddreg [dreg:$0x0];
	s2 =	stileid.u32  }
0x45: {  	s1 =	rddreg [dreg:$0x1];
	p0 =	sne.s32 s2, $0x0  }
0x46: {  	s3 =	rddreg [dreg:$0x2];
	[bflag:$0x3] =	sbarrier.arrive $0xFFFF;
	s2 =	simm.s32 @!p0 $0x1C01  }
0x47: {  	[timem:s3], [sflag:s2] =	dma.local @!p0 [hbm:s0], s1  }
0x48: {  	s0 =	simm.s32 @!p0 $0x1  }
0x49: {  	_ =	swait.ge @!p0 [sflag:s0], s1  }
0x4a: {  	s1 =	ssub.s32 @!p0 $0x0, s1;
	[sflag:s0] =	ssyncset.done @!p0 $0x0  }
0x4b: {  	[sflag:s0] =	ssyncadd.s32 @!p0 s1  }
0x4c: {  	[bflag:$0x3] =	sbarrier.arrive $0xFFFF  }
0x4d: {  	_ =	shalt  }

</sc_bundles>
